<compile_context>
chip_gen: v7x
topology: tpu7x:2x2x1
jax: 0.10.2.dev20260603
libtpu: 0.0.44.dev20260713+nightly
codegen_flags: <defaults>
</compile_context>

<pallas_src>
import functools

import jax
import jax.numpy as jnp
from jax import lax
from jax.experimental import pallas as pl
from jax.experimental.pallas import tpu as pltpu
from jax.experimental.pallas import tpu_sc as plsc

_B, _C, _Hf, _Wf, _N = 16, 81, 32, 32, 32
_HW = _Hf * _Wf
_BG = 80
_CLS_WEIGHT = 1.0
_BOX_WEIGHT = 5.0
_L = 16


def _dense_kernel(cl_ref, out_lse, out_bg):
    cl = cl_ref[...]
    m = jnp.max(cl, axis=1, keepdims=True)
    s = jnp.sum(jnp.exp(cl - m), axis=1, keepdims=True)
    sum_lse = jnp.sum(m + jnp.log(s))
    bg_sum = jnp.sum(cl[:, _BG:_BG + 1, :])
    out_lse[:, :] = jnp.full((1, 1), sum_lse, jnp.float32)
    out_bg[:, :] = jnp.full((1, 1), bg_sum, jnp.float32)


def _sc_body(bxt_hbm, lab_hbm, cl_hbm, bp_hbm, out_hbm,
             bx_v, lb_v, ce_v, cc_v, idxa_v, idxb_v, vala_v, valb_v,
             ov_v, sem):
    wid = lax.axis_index("s") + lax.axis_index("c") * 0

    @pl.when(wid < _B)
    def _():
        b = wid
        pltpu.sync_copy(bxt_hbm.at[b], bx_v)
        pltpu.sync_copy(lab_hbm.at[b], lb_v)

        io = lax.iota(jnp.int32, _L)

        for h in range(2):
            sl = pl.ds(h * _L, _L)
            x0 = bx_v[0, sl]
            y0 = bx_v[1, sl]
            x1 = bx_v[2, sl]
            y1 = bx_v[3, sl]
            cx = (x0 + x1) * (0.5 * _Wf)
            cy = (y0 + y1) * (0.5 * _Hf)
            jj = cx.astype(jnp.int32)
            ii = cy.astype(jnp.int32)
            valid = (ii >= 0) & (ii < _Hf) & (jj >= 0) & (jj < _Wf)
            cell = ii * _Wf + jj
            lane = io + h * _L
            ce_v[sl] = jnp.where(valid, cell, -1 - lane)
            cellc = jnp.where(valid, cell, 0)
            cc_v[sl] = cellc
            labl = lb_v[sl]
            base_cl = b * (_C * _HW)
            idxa_v[sl] = base_cl + labl * _HW + cellc
            idxa_v[pl.ds(2 * _L + h * _L, _L)] = base_cl + _BG * _HW + cellc
            base_bp = b * (4 * _HW)
            for k in range(4):
                idxb_v[pl.ds(k * 2 * _L + h * _L, _L)] = (
                    base_bp + k * _HW + cellc)

        cpa = pltpu.async_copy(cl_hbm.at[idxa_v], vala_v, sem)
        cpb = pltpu.async_copy(bp_hbm.at[idxb_v], valb_v, sem)
        cpa.wait()
        cpb.wait()

        corr = jnp.float32(0.0)
        box_num = jnp.float32(0.0)
        n_obj = jnp.float32(0.0)
        for h in range(2):
            sl = pl.ds(h * _L, _L)
            ce = ce_v[sl]
            lane = io + h * _L
            lose = lane < 0
            for d in range(1, 2 * _L - h * _L):
                nxt = lane + d
                g = plsc.load_gather(ce_v, [nxt & (2 * _L - 1)])
                lose = lose | ((ce == g) & (nxt < 2 * _L))
            winner = (ce >= 0) & (~lose)
            wf = jnp.where(winner, 1.0, 0.0).astype(jnp.float32)
            n_obj = n_obj + jnp.sum(wf)

            v_lab = vala_v[sl]
            v_bg = vala_v[pl.ds(2 * _L + h * _L, _L)]
            corr = corr + jnp.sum(wf * (v_lab - v_bg))

            for k in range(4):
                g = valb_v[pl.ds(k * 2 * _L + h * _L, _L)]
                bx = bx_v[k, sl]
                d_ = g - bx
                ad = jnp.abs(d_)
                sl1 = jnp.where(ad < 1.0, 0.5 * d_ * d_, ad - 0.5)
                box_num = box_num + jnp.sum(wf * sl1)

        out_vec = jnp.where(io == 0, corr,
                            jnp.where(io == 1, box_num,
                                      jnp.where(io == 2, n_obj, 0.0)))
        ov_v[...] = out_vec
        pltpu.sync_copy(ov_v, out_hbm.at[b])


_sc_sparse = functools.partial(
    pl.kernel,
    mesh=plsc.VectorSubcoreMesh(core_axis_name="c", subcore_axis_name="s", num_cores=1),
    out_type=jax.ShapeDtypeStruct((_B, _L), jnp.float32),
    compiler_params=pltpu.CompilerParams(needs_layout_passes=False, skip_device_barrier=True, disable_semaphore_checks=True, disable_bounds_checks=True),
    scratch_types=[
        pltpu.VMEM((4, _N), jnp.float32),
        pltpu.VMEM((_N,), jnp.int32),
        pltpu.VMEM((_N,), jnp.int32),
        pltpu.VMEM((_N,), jnp.int32),
        pltpu.VMEM((2 * _N,), jnp.int32),
        pltpu.VMEM((4 * _N,), jnp.int32),
        pltpu.VMEM((2 * _N,), jnp.float32),
        pltpu.VMEM((4 * _N,), jnp.float32),
        pltpu.VMEM((_L,), jnp.float32),
        pltpu.SemaphoreType.DMA,
    ],
)(_sc_body)


def kernel(cls_logits, box_pred, labels, boxes):
    cl3 = cls_logits.reshape(_B, _C, _HW)
    cl_flat = cls_logits.reshape(_B * _C * _HW)
    bp_flat = box_pred.reshape(_B * 4 * _HW)
    bxt = jnp.transpose(boxes, (0, 2, 1))

    lse_o, bg_o = pl.pallas_call(
        _dense_kernel,
        out_shape=[
            jax.ShapeDtypeStruct((1, 1), jnp.float32),
            jax.ShapeDtypeStruct((1, 1), jnp.float32),
        ],
    )(cl3)

    sc_out = _sc_sparse(bxt, labels, cl_flat, bp_flat)

    corr = jnp.sum(sc_out[:, 0])
    box_num = jnp.sum(sc_out[:, 1])
    n_obj = jnp.sum(sc_out[:, 2])
    loss_cls = (lse_o[0, 0] - bg_o[0, 0] - corr) / (_B * _HW)
    denom = jnp.maximum(n_obj * 4.0, 1.0)
    loss_box = jnp.where(n_obj > 0.0, box_num / denom, 0.0)
    total = _CLS_WEIGHT * loss_cls + _BOX_WEIGHT * loss_box
    return (total, loss_cls, loss_box)

# --- scband reference (transcript-rebuilt; emitter-appended) ---
"""Pipeline reference for scband-grid-detector-loss-2044404433246 (READ-ONLY COPY).

The authoritative reference and input builder live on the scoring server;
editing this copy changes nothing except your own understanding.
"""

import jax, jax.numpy as jnp
import numpy as np

B, C, Hf, Wf, N = 16, 81, 32, 32, 32
NUM_CLASSES = 80
CLS_WEIGHT = 1.0
BOX_WEIGHT = 5.0
BG_CLASS = NUM_CLASSES  # 80


def setup_inputs(seed: int = 0) -> dict:
    key = jax.random.key(seed)
    k1, k2, k3, k4 = jax.random.split(key, 4)
    cls_logits = jax.random.normal(k1, (B, C, Hf, Wf), dtype=jnp.float32)
    box_pred = jax.random.normal(k2, (B, 4, Hf, Wf), dtype=jnp.float32)
    labels = jax.random.randint(k3, (B, N), 0, NUM_CLASSES, dtype=jnp.int64) if False else jax.random.randint(k3, (B, N), 0, NUM_CLASSES).astype(jnp.int32)
    boxes = jax.random.uniform(k4, (B, N, 4), dtype=jnp.float32)
    return {"cls_logits": cls_logits, "box_pred": box_pred, "labels": labels, "boxes": boxes}


def _build_targets(labels, boxes):
    # vectorized version of the per-box python loop in the torch module
    cx = (boxes[..., 0] + boxes[..., 2]) / 2.0 * Wf
    cy = (boxes[..., 1] + boxes[..., 3]) / 2.0 * Hf
    jj = jnp.floor(cx).astype(jnp.int32)
    ii = jnp.floor(cy).astype(jnp.int32)
    valid = (ii >= 0) & (ii < Hf) & (jj >= 0) & (jj < Wf)
    flat = jnp.arange(B, dtype=jnp.int32)[:, None] * (Hf * Wf) + ii * Wf + jj
    flat = jnp.where(valid, flat, B * Hf * Wf)  # out-of-range -> dropped by scatter
    flat = flat.reshape(-1)
    cls_target = jnp.full((B * Hf * Wf,), BG_CLASS, dtype=jnp.int32).at[flat].set(
        labels.reshape(-1).astype(jnp.int32), mode="drop")
    box_target = jnp.zeros((B * Hf * Wf, 4), dtype=jnp.float32).at[flat].set(
        boxes.reshape(-1, 4), mode="drop")
    obj_mask = jnp.zeros((B * Hf * Wf,), dtype=bool).at[flat].set(
        jnp.ones((B * N,), dtype=bool), mode="drop")
    return cls_target, box_target, obj_mask


def reference(cls_logits, box_pred, labels, boxes):
    cl = jnp.transpose(cls_logits, (0, 2, 3, 1)).reshape(-1, C)
    bp = jnp.transpose(box_pred, (0, 2, 3, 1)).reshape(-1, 4)
    cls_target, box_target, obj_mask = _build_targets(labels, boxes)
    # cross entropy, reduction='none' then mean
    logp = jax.nn.log_softmax(cl, axis=-1)
    loss_cls = -jnp.take_along_axis(logp, cls_target[:, None], axis=1)[:, 0]
    loss_cls = loss_cls.mean()
    # smooth l1 on object cells only, mean over selected elements
    diff = bp - box_target
    ad = jnp.abs(diff)
    sl1 = jnp.where(ad < 1.0, 0.5 * diff * diff, ad - 0.5)
    m = obj_mask[:, None].astype(jnp.float32)
    n_obj = obj_mask.astype(jnp.float32).sum()
    denom = jnp.maximum(n_obj * 4.0, 1.0)
    loss_box = jnp.where(n_obj > 0, (sl1 * m).sum() / denom, 0.0)
    total = CLS_WEIGHT * loss_cls + BOX_WEIGHT * loss_box
    return (total, jax.lax.stop_gradient(loss_cls), jax.lax.stop_gradient(loss_box))

if __name__ == "__main__":
    import jax
    _d = setup_inputs()
    print(jax.jit(kernel)(*tuple(_d.values())))

</pallas_src>

<mosaic_0001>
#map = affine_map<(d0, d1) -> (0, 0, 0)>
#map1 = affine_map<(d0, d1) -> (0, 0)>
#map2 = affine_map<(d0, d1) -> (0)>
module attributes {stable_mosaic.version = 14 : i64} {
  func.func @_sc_body(%arg0: i32, %arg1: i32, %arg2: memref<16x4x32xf32, #tpu.memory_space<hbm>>, %arg3: memref<16x32xi32, #tpu.memory_space<hbm>>, %arg4: memref<1327104xf32, #tpu.memory_space<hbm>>, %arg5: memref<65536xf32, #tpu.memory_space<hbm>>, %arg6: memref<16x16xf32, #tpu.memory_space<hbm>>, %arg7: memref<4x32xf32, #tpu.memory_space<vmem>>, %arg8: memref<32xi32, #tpu.memory_space<vmem>>, %arg9: memref<32xi32, #tpu.memory_space<vmem>>, %arg10: memref<32xi32, #tpu.memory_space<vmem>>, %arg11: memref<64xi32, #tpu.memory_space<vmem>>, %arg12: memref<128xi32, #tpu.memory_space<vmem>>, %arg13: memref<64xf32, #tpu.memory_space<vmem>>, %arg14: memref<128xf32, #tpu.memory_space<vmem>>, %arg15: memref<16xf32, #tpu.memory_space<vmem>>, %arg16: memref<!tpu.dma_semaphore, #tpu.memory_space<semaphore_mem>>) attributes {dimension_semantics = [#tpu.dimension_semantics<core_parallel>, #tpu.dimension_semantics<subcore_parallel>], iteration_bounds = array<i64: 1, 16>, scalar_prefetch = 0 : i64, scratch_operands = 10 : i64, tpu.core_type = #tpu.core_type<sc_vector_subcore>, window_params = [{transform_indices = #map}, {transform_indices = #map1}, {transform_indices = #map2}, {transform_indices = #map2}, {transform_indices = #map1}]} {
    %mul3A = arith.constant 0 : i32
    %mul3A_0 = arith.muli %arg0, %mul3A : i32
    %add3A = arith.addi %arg1, %mul3A_0 : i32
    %lt3A = arith.constant 16 : i32
    %lt3A_1 = arith.cmpi slt, %add3A, %lt3A : i32
    %convert_element_type3A = arith.extui %lt3A_1 : i1 to i32
    %cond3A = arith.constant 0 : i32
    %cond3A_2 = arith.cmpi ne, %convert_element_type3A, %cond3A : i32
    scf.if %cond3A_2 {
      "tpu.region"() ({
        %run_scoped3A = tpu.sem_alloc : memref<!tpu.dma_semaphore, #tpu.memory_space<semaphore_mem>>
        %dma_start3A_1091 = arith.constant 0 : i32
        %dma_start3A_1092 = arith.constant 0 : i32
        %dma_start3A_1093 = tpu.memref_slice %arg2[%add3A, %dma_start3A_1091, %dma_start3A_1092] : memref<16x4x32xf32, #tpu.memory_space<hbm>> -> memref<1x4x32xf32, #tpu.memory_space<hbm>>
        %dma_start3A_1094 = tpu.memref_squeeze %dma_start3A_1093 : memref<1x4x32xf32, #tpu.memory_space<hbm>> -> memref<4x32xf32, #tpu.memory_space<hbm>>
        %dma_start3A_1095 = arith.constant 0 : i32
        %dma_start3A_1096 = arith.constant 0 : i32
        %dma_start3A_1097 = tpu.memref_slice %arg2[%add3A, %dma_start3A_1095, %dma_start3A_1096] : memref<16x4x32xf32, #tpu.memory_space<hbm>> -> memref<1x4x32xf32, #tpu.memory_space<hbm>>
        %dma_start3A_1098 = tpu.memref_squeeze %dma_start3A_1097 : memref<1x4x32xf32, #tpu.memory_space<hbm>> -> memref<4x32xf32, #tpu.memory_space<hbm>>
        tpu.enqueue_dma source(%dma_start3A_1098 : memref<4x32xf32, #tpu.memory_space<hbm>>) target(%arg7 : memref<4x32xf32, #tpu.memory_space<vmem>>) target_semaphore(%run_scoped3A : memref<!tpu.dma_semaphore, #tpu.memory_space<semaphore_mem>>)
        %dma_wait3A_1099 = arith.constant 0 : i32
        %dma_wait3A_1100 = arith.constant 0 : i32
        %dma_wait3A_1101 = tpu.memref_slice %arg2[%add3A, %dma_wait3A_1099, %dma_wait3A_1100] : memref<16x4x32xf32, #tpu.memory_space<hbm>> -> memref<1x4x32xf32, #tpu.memory_space<hbm>>
        %dma_wait3A_1102 = tpu.memref_squeeze %dma_wait3A_1101 : memref<1x4x32xf32, #tpu.memory_space<hbm>> -> memref<4x32xf32, #tpu.memory_space<hbm>>
        %dma_wait3A_1103 = arith.constant 0 : i32
        %dma_wait3A_1104 = arith.constant 0 : i32
        %dma_wait3A_1105 = tpu.memref_slice %arg2[%add3A, %dma_wait3A_1103, %dma_wait3A_1104] : memref<16x4x32xf32, #tpu.memory_space<hbm>> -> memref<1x4x32xf32, #tpu.memory_space<hbm>>
        %dma_wait3A_1106 = tpu.memref_squeeze %dma_wait3A_1105 : memref<1x4x32xf32, #tpu.memory_space<hbm>> -> memref<4x32xf32, #tpu.memory_space<hbm>>
        tpu.wait_dma2 semaphore(%run_scoped3A : memref<!tpu.dma_semaphore, #tpu.memory_space<semaphore_mem>>) src(%dma_wait3A_1106 : memref<4x32xf32, #tpu.memory_space<hbm>>) dst(%arg7 : memref<4x32xf32, #tpu.memory_space<vmem>>)
        tpu.yield
      }) : () -> ()
      "tpu.region"() ({
        %run_scoped3A = tpu.sem_alloc : memref<!tpu.dma_semaphore, #tpu.memory_space<semaphore_mem>>
        %dma_start3A_1091 = arith.constant 0 : i32
        %dma_start3A_1092 = tpu.memref_slice %arg3[%add3A, %dma_start3A_1091] : memref<16x32xi32, #tpu.memory_space<hbm>> -> memref<1x32xi32, #tpu.memory_space<hbm>>
        %dma_start3A_1093 = tpu.memref_squeeze %dma_start3A_1092 : memref<1x32xi32, #tpu.memory_space<hbm>> -> memref<32xi32, #tpu.memory_space<hbm>>
        %dma_start3A_1094 = arith.constant 0 : i32
        %dma_start3A_1095 = tpu.memref_slice %arg3[%add3A, %dma_start3A_1094] : memref<16x32xi32, #tpu.memory_space<hbm>> -> memref<1x32xi32, #tpu.memory_space<hbm>>
        %dma_start3A_1096 = tpu.memref_squeeze %dma_start3A_1095 : memref<1x32xi32, #tpu.memory_space<hbm>> -> memref<32xi32, #tpu.memory_space<hbm>>
        tpu.enqueue_dma source(%dma_start3A_1096 : memref<32xi32, #tpu.memory_space<hbm>>) target(%arg8 : memref<32xi32, #tpu.memory_space<vmem>>) target_semaphore(%run_scoped3A : memref<!tpu.dma_semaphore, #tpu.memory_space<semaphore_mem>>)
        %dma_wait3A_1097 = arith.constant 0 : i32
        %dma_wait3A_1098 = tpu.memref_slice %arg3[%add3A, %dma_wait3A_1097] : memref<16x32xi32, #tpu.memory_space<hbm>> -> memref<1x32xi32, #tpu.memory_space<hbm>>
        %dma_wait3A_1099 = tpu.memref_squeeze %dma_wait3A_1098 : memref<1x32xi32, #tpu.memory_space<hbm>> -> memref<32xi32, #tpu.memory_space<hbm>>
        %dma_wait3A_1100 = arith.constant 0 : i32
        %dma_wait3A_1101 = tpu.memref_slice %arg3[%add3A, %dma_wait3A_1100] : memref<16x32xi32, #tpu.memory_space<hbm>> -> memref<1x32xi32, #tpu.memory_space<hbm>>
        %dma_wait3A_1102 = tpu.memref_squeeze %dma_wait3A_1101 : memref<1x32xi32, #tpu.memory_space<hbm>> -> memref<32xi32, #tpu.memory_space<hbm>>
        tpu.wait_dma2 semaphore(%run_scoped3A : memref<!tpu.dma_semaphore, #tpu.memory_space<semaphore_mem>>) src(%dma_wait3A_1102 : memref<32xi32, #tpu.memory_space<hbm>>) dst(%arg8 : memref<32xi32, #tpu.memory_space<vmem>>)
        tpu.yield
      }) : () -> ()
      %iota3A = tpu.iota {dimensions = array<i32: 0>} : vector<16xi32>
      %get3A = arith.constant 0 : i32
      %get3A_3 = arith.index_cast %get3A : i32 to index
      %get3A_4 = arith.constant 0 : index
      %get3A_5 = tpu.vector_load %arg7[%get3A_3, %get3A_4] {strides = array<i32>} : memref<4x32xf32, #tpu.memory_space<vmem>>, vector<16xf32>,
      %get3A_6 = arith.constant 1 : i32
      %get3A_7 = arith.index_cast %get3A_6 : i32 to index
      %get3A_8 = arith.constant 0 : index
      %get3A_9 = tpu.vector_load %arg7[%get3A_7, %get3A_8] {strides = array<i32>} : memref<4x32xf32, #tpu.memory_space<vmem>>, vector<16xf32>,
      %get3A_10 = arith.constant 2 : i32
      %get3A_11 = arith.index_cast %get3A_10 : i32 to index
      %get3A_12 = arith.constant 0 : index
      %get3A_13 = tpu.vector_load %arg7[%get3A_11, %get3A_12] {strides = array<i32>} : memref<4x32xf32, #tpu.memory_space<vmem>>, vector<16xf32>,
      %get3A_14 = arith.constant 3 : i32
      %get3A_15 = arith.index_cast %get3A_14 : i32 to index
      %get3A_16 = arith.constant 0 : index
      %get3A_17 = tpu.vector_load %arg7[%get3A_15, %get3A_16] {strides = array<i32>} : memref<4x32xf32, #tpu.memory_space<vmem>>, vector<16xf32>,
      %add3A_18 = arith.addf %get3A_5, %get3A_13 : vector<16xf32>
      %mul3A_19 = arith.constant 1.600000e+01 : f32
      %mul3A_20 = vector.broadcast %mul3A_19 : f32 to vector<16xf32>
      %mul3A_21 = arith.mulf %add3A_18, %mul3A_20 : vector<16xf32>
      %add3A_22 = arith.addf %get3A_9, %get3A_17 : vector<16xf32>
      %mul3A_23 = arith.constant 1.600000e+01 : f32
      %mul3A_24 = vector.broadcast %mul3A_23 : f32 to vector<16xf32>
      %mul3A_25 = arith.mulf %add3A_22, %mul3A_24 : vector<16xf32>
      %convert_element_type3A_26 = arith.fptosi %mul3A_21 : vector<16xf32> to vector<16xi32>
      %convert_element_type3A_27 = arith.fptosi %mul3A_25 : vector<16xf32> to vector<16xi32>
      %ge3A = arith.constant 0 : i32
      %ge3A_28 = vector.broadcast %ge3A : i32 to vector<16xi32>
      %ge3A_29 = arith.cmpi sge, %convert_element_type3A_27, %ge3A_28 : vector<16xi32>
      %lt3A_30 = arith.constant 32 : i32
      %lt3A_31 = vector.broadcast %lt3A_30 : i32 to vector<16xi32>
      %lt3A_32 = arith.cmpi slt, %convert_element_type3A_27, %lt3A_31 : vector<16xi32>
      %and3A = arith.andi %ge3A_29, %lt3A_32 : vector<16xi1>
      %ge3A_33 = arith.constant 0 : i32
      %ge3A_34 = vector.broadcast %ge3A_33 : i32 to vector<16xi32>
      %ge3A_35 = arith.cmpi sge, %convert_element_type3A_26, %ge3A_34 : vector<16xi32>
      %and3A_36 = arith.andi %and3A, %ge3A_35 : vector<16xi1>
      %lt3A_37 = arith.constant 32 : i32
      %lt3A_38 = vector.broadcast %lt3A_37 : i32 to vector<16xi32>
      %lt3A_39 = arith.cmpi slt, %convert_element_type3A_26, %lt3A_38 : vector<16xi32>
      %and3A_40 = arith.andi %and3A_36, %lt3A_39 : vector<16xi1>
      %mul3A_41 = arith.constant 32 : i32
      %mul3A_42 = vector.broadcast %mul3A_41 : i32 to vector<16xi32>
      %mul3A_43 = arith.muli %convert_element_type3A_27, %mul3A_42 : vector<16xi32>
      %add3A_44 = arith.addi %mul3A_43, %convert_element_type3A_26 : vector<16xi32>
      %add3A_45 = arith.constant 0 : i32
      %add3A_46 = vector.broadcast %add3A_45 : i32 to vector<16xi32>
      %add3A_47 = arith.addi %iota3A, %add3A_46 : vector<16xi32>
      %sub3A = arith.constant -1 : i32
      %sub3A_48 = vector.broadcast %sub3A : i32 to vector<16xi32>
      %sub3A_49 = arith.subi %sub3A_48, %add3A_47 : vector<16xi32>
      %select_n3A = arith.select %and3A_40, %add3A_44, %sub3A_49 : vector<16xi1>, vector<16xi32>
      %swap3A = arith.constant 0 : index
      %swap3A_50 = tpu.vector_load %arg9[%swap3A] {strides = array<i32>} : memref<32xi32, #tpu.memory_space<vmem>>, vector<16xi32>,
      tpu.vector_store %arg9[%swap3A], %select_n3A {strides = array<i32>} : memref<32xi32, #tpu.memory_space<vmem>>, vector<16xi32>,
      %jit3A = arith.constant 0 : i32
      %broadcast_in_dim3A = vector.broadcast %jit3A : i32 to vector<16xi32>
      %select_n3A_51 = arith.select %and3A_40, %add3A_44, %broadcast_in_dim3A : vector<16xi1>, vector<16xi32>
      %swap3A_52 = arith.constant 0 : index
      %swap3A_53 = tpu.vector_load %arg10[%swap3A_52] {strides = array<i32>} : memref<32xi32, #tpu.memory_space<vmem>>, vector<16xi32>,
      tpu.vector_store %arg10[%swap3A_52], %select_n3A_51 {strides = array<i32>} : memref<32xi32, #tpu.memory_space<vmem>>, vector<16xi32>,
      %get3A_54 = arith.constant 0 : index
      %get3A_55 = tpu.vector_load %arg8[%get3A_54] {strides = array<i32>} : memref<32xi32, #tpu.memory_space<vmem>>, vector<16xi32>,
      %mul3A_56 = arith.constant 82944 : i32
      %mul3A_57 = arith.muli %add3A, %mul3A_56 : i32
      %mul3A_58 = arith.constant 1024 : i32
      %mul3A_59 = vector.broadcast %mul3A_58 : i32 to vector<16xi32>
      %mul3A_60 = arith.muli %get3A_55, %mul3A_59 : vector<16xi32>
      %add3A_61 = vector.broadcast %mul3A_57 : i32 to vector<16xi32>
      %add3A_62 = arith.addi %add3A_61, %mul3A_60 : vector<16xi32>
      %add3A_63 = arith.addi %add3A_62, %select_n3A_51 : vector<16xi32>
      %swap3A_64 = arith.constant 0 : index
      %swap3A_65 = tpu.vector_load %arg11[%swap3A_64] {strides = array<i32>} : memref<64xi32, #tpu.memory_space<vmem>>, vector<16xi32>,
      tpu.vector_store %arg11[%swap3A_64], %add3A_63 {strides = array<i32>} : memref<64xi32, #tpu.memory_space<vmem>>, vector<16xi32>,
      %add3A_66 = arith.constant 81920 : i32
      %add3A_67 = arith.addi %mul3A_57, %add3A_66 : i32
      %add3A_68 = vector.broadcast %add3A_67 : i32 to vector<16xi32>
      %add3A_69 = arith.addi %add3A_68, %select_n3A_51 : vector<16xi32>
      %swap3A_70 = arith.constant 32 : index
      %swap3A_71 = tpu.vector_load %arg11[%swap3A_70] {strides = array<i32>} : memref<64xi32, #tpu.memory_space<vmem>>, vector<16xi32>,
      tpu.vector_store %arg11[%swap3A_70], %add3A_69 {strides = array<i32>} : memref<64xi32, #tpu.memory_space<vmem>>, vector<16xi32>,
      %mul3A_72 = arith.constant 4096 : i32
      %mul3A_73 = arith.muli %add3A, %mul3A_72 : i32
      %add3A_74 = arith.constant 0 : i32
      %add3A_75 = arith.addi %mul3A_73, %add3A_74 : i32
      %add3A_76 = vector.broadcast %add3A_75 : i32 to vector<16xi32>
      %add3A_77 = arith.addi %add3A_76, %select_n3A_51 : vector<16xi32>
      %swap3A_78 = arith.constant 0 : index
      %swap3A_79 = tpu.vector_load %arg12[%swap3A_78] {strides = array<i32>} : memref<128xi32, #tpu.memory_space<vmem>>, vector<16xi32>,
      tpu.vector_store %arg12[%swap3A_78], %add3A_77 {strides = array<i32>} : memref<128xi32, #tpu.memory_space<vmem>>, vector<16xi32>,
      %add3A_80 = arith.constant 1024 : i32
      %add3A_81 = arith.addi %mul3A_73, %add3A_80 : i32
      %add3A_82 = vector.broadcast %add3A_81 : i32 to vector<16xi32>
      %add3A_83 = arith.addi %add3A_82, %select_n3A_51 : vector<16xi32>
      %swap3A_84 = arith.constant 32 : index
      %swap3A_85 = tpu.vector_load %arg12[%swap3A_84] {strides = array<i32>} : memref<128xi32, #tpu.memory_space<vmem>>, vector<16xi32>,
      tpu.vector_store %arg12[%swap3A_84], %add3A_83 {strides = array<i32>} : memref<128xi32, #tpu.memory_space<vmem>>, vector<16xi32>,
      %add3A_86 = arith.constant 2048 : i32
      %add3A_87 = arith.addi %mul3A_73, %add3A_86 : i32
      %add3A_88 = vector.broadcast %add3A_87 : i32 to vector<16xi32>
      %add3A_89 = arith.addi %add3A_88, %select_n3A_51 : vector<16xi32>
      %swap3A_90 = arith.constant 64 : index
      %swap3A_91 = tpu.vector_load %arg12[%swap3A_90] {strides = array<i32>} : memref<128xi32, #tpu.memory_space<vmem>>, vector<16xi32>,
      tpu.vector_store %arg12[%swap3A_90], %add3A_89 {strides = array<i32>} : memref<128xi32, #tpu.memory_space<vmem>>, vector<16xi32>,
      %add3A_92 = arith.constant 3072 : i32
      %add3A_93 = arith.addi %mul3A_73, %add3A_92 : i32
      %add3A_94 = vector.broadcast %add3A_93 : i32 to vector<16xi32>
      %add3A_95 = arith.addi %add3A_94, %select_n3A_51 : vector<16xi32>
      %swap3A_96 = arith.constant 96 : index
      %swap3A_97 = tpu.vector_load %arg12[%swap3A_96] {strides = array<i32>} : memref<128xi32, #tpu.memory_space<vmem>>, vector<16xi32>,
      tpu.vector_store %arg12[%swap3A_96], %add3A_95 {strides = array<i32>} : memref<128xi32, #tpu.memory_space<vmem>>, vector<16xi32>,
      %get3A_98 = arith.constant 0 : i32
      %get3A_99 = arith.index_cast %get3A_98 : i32 to index
      %get3A_100 = arith.constant 16 : index
      %get3A_101 = tpu.vector_load %arg7[%get3A_99, %get3A_100] {strides = array<i32>} : memref<4x32xf32, #tpu.memory_space<vmem>>, vector<16xf32>,
      %get3A_102 = arith.constant 1 : i32
      %get3A_103 = arith.index_cast %get3A_102 : i32 to index
      %get3A_104 = arith.constant 16 : index
      %get3A_105 = tpu.vector_load %arg7[%get3A_103, %get3A_104] {strides = array<i32>} : memref<4x32xf32, #tpu.memory_space<vmem>>, vector<16xf32>,
      %get3A_106 = arith.constant 2 : i32
      %get3A_107 = arith.index_cast %get3A_106 : i32 to index
      %get3A_108 = arith.constant 16 : index
      %get3A_109 = tpu.vector_load %arg7[%get3A_107, %get3A_108] {strides = array<i32>} : memref<4x32xf32, #tpu.memory_space<vmem>>, vector<16xf32>,
      %get3A_110 = arith.constant 3 : i32
      %get3A_111 = arith.index_cast %get3A_110 : i32 to index
      %get3A_112 = arith.constant 16 : index
      %get3A_113 = tpu.vector_load %arg7[%get3A_111, %get3A_112] {strides = array<i32>} : memref<4x32xf32, #tpu.memory_space<vmem>>, vector<16xf32>,
      %add3A_114 = arith.addf %get3A_101, %get3A_109 : vector<16xf32>
      %mul3A_115 = arith.constant 1.600000e+01 : f32
      %mul3A_116 = vector.broadcast %mul3A_115 : f32 to vector<16xf32>
      %mul3A_117 = arith.mulf %add3A_114, %mul3A_116 : vector<16xf32>
      %add3A_118 = arith.addf %get3A_105, %get3A_113 : vector<16xf32>
      %mul3A_119 = arith.constant 1.600000e+01 : f32
      %mul3A_120 = vector.broadcast %mul3A_119 : f32 to vector<16xf32>
      %mul3A_121 = arith.mulf %add3A_118, %mul3A_120 : vector<16xf32>
      %convert_element_type3A_122 = arith.fptosi %mul3A_117 : vector<16xf32> to vector<16xi32>
      %convert_element_type3A_123 = arith.fptosi %mul3A_121 : vector<16xf32> to vector<16xi32>
      %ge3A_124 = arith.constant 0 : i32
      %ge3A_125 = vector.broadcast %ge3A_124 : i32 to vector<16xi32>
      %ge3A_126 = arith.cmpi sge, %convert_element_type3A_123, %ge3A_125 : vector<16xi32>
      %lt3A_127 = arith.constant 32 : i32
      %lt3A_128 = vector.broadcast %lt3A_127 : i32 to vector<16xi32>
      %lt3A_129 = arith.cmpi slt, %convert_element_type3A_123, %lt3A_128 : vector<16xi32>
      %and3A_130 = arith.andi %ge3A_126, %lt3A_129 : vector<16xi1>
      %ge3A_131 = arith.constant 0 : i32
      %ge3A_132 = vector.broadcast %ge3A_131 : i32 to vector<16xi32>
      %ge3A_133 = arith.cmpi sge, %convert_element_type3A_122, %ge3A_132 : vector<16xi32>
      %and3A_134 = arith.andi %and3A_130, %ge3A_133 : vector<16xi1>
      %lt3A_135 = arith.constant 32 : i32
      %lt3A_136 = vector.broadcast %lt3A_135 : i32 to vector<16xi32>
      %lt3A_137 = arith.cmpi slt, %convert_element_type3A_122, %lt3A_136 : vector<16xi32>
      %and3A_138 = arith.andi %and3A_134, %lt3A_137 : vector<16xi1>
      %mul3A_139 = arith.constant 32 : i32
      %mul3A_140 = vector.broadcast %mul3A_139 : i32 to vector<16xi32>
      %mul3A_141 = arith.muli %convert_element_type3A_123, %mul3A_140 : vector<16xi32>
      %add3A_142 = arith.addi %mul3A_141, %convert_element_type3A_122 : vector<16xi32>
      %add3A_143 = arith.constant 16 : i32
      %add3A_144 = vector.broadcast %add3A_143 : i32 to vector<16xi32>
      %add3A_145 = arith.addi %iota3A, %add3A_144 : vector<16xi32>
      %sub3A_146 = arith.constant -1 : i32
      %sub3A_147 = vector.broadcast %sub3A_146 : i32 to vector<16xi32>
      %sub3A_148 = arith.subi %sub3A_147, %add3A_145 : vector<16xi32>
      %select_n3A_149 = arith.select %and3A_138, %add3A_142, %sub3A_148 : vector<16xi1>, vector<16xi32>
      %swap3A_150 = arith.constant 16 : index
      %swap3A_151 = tpu.vector_load %arg9[%swap3A_150] {strides = array<i32>} : memref<32xi32, #tpu.memory_space<vmem>>, vector<16xi32>,
      tpu.vector_store %arg9[%swap3A_150], %select_n3A_149 {strides = array<i32>} : memref<32xi32, #tpu.memory_space<vmem>>, vector<16xi32>,
      %jit3A_152 = arith.constant 0 : i32
      %broadcast_in_dim3A_153 = vector.broadcast %jit3A_152 : i32 to vector<16xi32>
      %select_n3A_154 = arith.select %and3A_138, %add3A_142, %broadcast_in_dim3A_153 : vector<16xi1>, vector<16xi32>
      %swap3A_155 = arith.constant 16 : index
      %swap3A_156 = tpu.vector_load %arg10[%swap3A_155] {strides = array<i32>} : memref<32xi32, #tpu.memory_space<vmem>>, vector<16xi32>,
      tpu.vector_store %arg10[%swap3A_155], %select_n3A_154 {strides = array<i32>} : memref<32xi32, #tpu.memory_space<vmem>>, vector<16xi32>,
      %get3A_157 = arith.constant 16 : index
      %get3A_158 = tpu.vector_load %arg8[%get3A_157] {strides = array<i32>} : memref<32xi32, #tpu.memory_space<vmem>>, vector<16xi32>,
      %mul3A_159 = arith.constant 82944 : i32
      %mul3A_160 = arith.muli %add3A, %mul3A_159 : i32
      %mul3A_161 = arith.constant 1024 : i32
      %mul3A_162 = vector.broadcast %mul3A_161 : i32 to vector<16xi32>
      %mul3A_163 = arith.muli %get3A_158, %mul3A_162 : vector<16xi32>
      %add3A_164 = vector.broadcast %mul3A_160 : i32 to vector<16xi32>
      %add3A_165 = arith.addi %add3A_164, %mul3A_163 : vector<16xi32>
      %add3A_166 = arith.addi %add3A_165, %select_n3A_154 : vector<16xi32>
      %swap3A_167 = arith.constant 16 : index
      %swap3A_168 = tpu.vector_load %arg11[%swap3A_167] {strides = array<i32>} : memref<64xi32, #tpu.memory_space<vmem>>, vector<16xi32>,
      tpu.vector_store %arg11[%swap3A_167], %add3A_166 {strides = array<i32>} : memref<64xi32, #tpu.memory_space<vmem>>, vector<16xi32>,
      %add3A_169 = arith.constant 81920 : i32
      %add3A_170 = arith.addi %mul3A_160, %add3A_169 : i32
      %add3A_171 = vector.broadcast %add3A_170 : i32 to vector<16xi32>
      %add3A_172 = arith.addi %add3A_171, %select_n3A_154 : vector<16xi32>
      %swap3A_173 = arith.constant 48 : index
      %swap3A_174 = tpu.vector_load %arg11[%swap3A_173] {strides = array<i32>} : memref<64xi32, #tpu.memory_space<vmem>>, vector<16xi32>,
      tpu.vector_store %arg11[%swap3A_173], %add3A_172 {strides = array<i32>} : memref<64xi32, #tpu.memory_space<vmem>>, vector<16xi32>,
      %mul3A_175 = arith.constant 4096 : i32
      %mul3A_176 = arith.muli %add3A, %mul3A_175 : i32
      %add3A_177 = arith.constant 0 : i32
      %add3A_178 = arith.addi %mul3A_176, %add3A_177 : i32
      %add3A_179 = vector.broadcast %add3A_178 : i32 to vector<16xi32>
      %add3A_180 = arith.addi %add3A_179, %select_n3A_154 : vector<16xi32>
      %swap3A_181 = arith.constant 16 : index
      %swap3A_182 = tpu.vector_load %arg12[%swap3A_181] {strides = array<i32>} : memref<128xi32, #tpu.memory_space<vmem>>, vector<16xi32>,
      tpu.vector_store %arg12[%swap3A_181], %add3A_180 {strides = array<i32>} : memref<128xi32, #tpu.memory_space<vmem>>, vector<16xi32>,
      %add3A_183 = arith.constant 1024 : i32
      %add3A_184 = arith.addi %mul3A_176, %add3A_183 : i32
      %add3A_185 = vector.broadcast %add3A_184 : i32 to vector<16xi32>
      %add3A_186 = arith.addi %add3A_185, %select_n3A_154 : vector<16xi32>
      %swap3A_187 = arith.constant 48 : index
      %swap3A_188 = tpu.vector_load %arg12[%swap3A_187] {strides = array<i32>} : memref<128xi32, #tpu.memory_space<vmem>>, vector<16xi32>,
      tpu.vector_store %arg12[%swap3A_187], %add3A_186 {strides = array<i32>} : memref<128xi32, #tpu.memory_space<vmem>>, vector<16xi32>,
      %add3A_189 = arith.constant 2048 : i32
      %add3A_190 = arith.addi %mul3A_176, %add3A_189 : i32
      %add3A_191 = vector.broadcast %add3A_190 : i32 to vector<16xi32>
      %add3A_192 = arith.addi %add3A_191, %select_n3A_154 : vector<16xi32>
      %swap3A_193 = arith.constant 80 : index
      %swap3A_194 = tpu.vector_load %arg12[%swap3A_193] {strides = array<i32>} : memref<128xi32, #tpu.memory_space<vmem>>, vector<16xi32>,
      tpu.vector_store %arg12[%swap3A_193], %add3A_192 {strides = array<i32>} : memref<128xi32, #tpu.memory_space<vmem>>, vector<16xi32>,
      %add3A_195 = arith.constant 3072 : i32
      %add3A_196 = arith.addi %mul3A_176, %add3A_195 : i32
      %add3A_197 = vector.broadcast %add3A_196 : i32 to vector<16xi32>
      %add3A_198 = arith.addi %add3A_197, %select_n3A_154 : vector<16xi32>
      %swap3A_199 = arith.constant 112 : index
      %swap3A_200 = tpu.vector_load %arg12[%swap3A_199] {strides = array<i32>} : memref<128xi32, #tpu.memory_space<vmem>>, vector<16xi32>,
      tpu.vector_store %arg12[%swap3A_199], %add3A_198 {strides = array<i32>} : memref<128xi32, #tpu.memory_space<vmem>>, vector<16xi32>,
      %dma_start3A = arith.constant 0 : i32
      %dma_start3A_201 = tpu.memref_slice %arg4[%dma_start3A] : memref<1327104xf32, #tpu.memory_space<hbm>> -> memref<1327104xf32, #tpu.memory_space<hbm>>
      tpu.enqueue_indirect_dma source(%dma_start3A_201 : memref<1327104xf32, #tpu.memory_space<hbm>>) target(%arg13 : memref<64xf32, #tpu.memory_space<vmem>>) offsets(%arg11 : memref<64xi32, #tpu.memory_space<vmem>>) semaphore(%arg16 : memref<!tpu.dma_semaphore, #tpu.memory_space<semaphore_mem>>)
      %dma_start3A_202 = arith.constant 0 : i32
      %dma_start3A_203 = tpu.memref_slice %arg5[%dma_start3A_202] : memref<65536xf32, #tpu.memory_space<hbm>> -> memref<65536xf32, #tpu.memory_space<hbm>>
      tpu.enqueue_indirect_dma source(%dma_start3A_203 : memref<65536xf32, #tpu.memory_space<hbm>>) target(%arg14 : memref<128xf32, #tpu.memory_space<vmem>>) offsets(%arg12 : memref<128xi32, #tpu.memory_space<vmem>>) semaphore(%arg16 : memref<!tpu.dma_semaphore, #tpu.memory_space<semaphore_mem>>)
      %dma_wait3A = arith.constant 0 : i32
      %dma_wait3A_204 = tpu.memref_slice %arg4[%dma_wait3A] : memref<1327104xf32, #tpu.memory_space<hbm>> -> memref<1327104xf32, #tpu.memory_space<hbm>>
      tpu.wait_indirect_dma semaphore(%arg16 : memref<!tpu.dma_semaphore, #tpu.memory_space<semaphore_mem>>) src(%dma_wait3A_204 : memref<1327104xf32, #tpu.memory_space<hbm>>) dst(%arg13 : memref<64xf32, #tpu.memory_space<vmem>>)
      %dma_wait3A_205 = arith.constant 0 : i32
      %dma_wait3A_206 = tpu.memref_slice %arg5[%dma_wait3A_205] : memref<65536xf32, #tpu.memory_space<hbm>> -> memref<65536xf32, #tpu.memory_space<hbm>>
      tpu.wait_indirect_dma semaphore(%arg16 : memref<!tpu.dma_semaphore, #tpu.memory_space<semaphore_mem>>) src(%dma_wait3A_206 : memref<65536xf32, #tpu.memory_space<hbm>>) dst(%arg14 : memref<128xf32, #tpu.memory_space<vmem>>)
      %get3A_207 = arith.constant 0 : index
      %get3A_208 = tpu.vector_load %arg9[%get3A_207] {strides = array<i32>} : memref<32xi32, #tpu.memory_space<vmem>>, vector<16xi32>,
      %add3A_209 = arith.constant 0 : i32
      %add3A_210 = vector.broadcast %add3A_209 : i32 to vector<16xi32>
      %add3A_211 = arith.addi %iota3A, %add3A_210 : vector<16xi32>
      %lt3A_212 = arith.constant 0 : i32
      %lt3A_213 = vector.broadcast %lt3A_212 : i32 to vector<16xi32>
      %lt3A_214 = arith.cmpi slt, %add3A_211, %lt3A_213 : vector<16xi32>
      %add3A_215 = arith.constant 1 : i32
      %add3A_216 = vector.broadcast %add3A_215 : i32 to vector<16xi32>
      %add3A_217 = arith.addi %add3A_211, %add3A_216 : vector<16xi32>
      %and3A_218 = arith.constant 31 : i32
      %and3A_219 = vector.broadcast %and3A_218 : i32 to vector<16xi32>
      %and3A_220 = arith.andi %add3A_217, %and3A_219 : vector<16xi32>
      %gather3A = tpu.vector_load_idx %arg9[%and3A_220] : memref<32xi32, #tpu.memory_space<vmem>>[vector<16xi32>], vector<16xi32>,
      %eq3A = arith.cmpi eq, %get3A_208, %gather3A : vector<16xi32>
      %lt3A_221 = arith.constant 32 : i32
      %lt3A_222 = vector.broadcast %lt3A_221 : i32 to vector<16xi32>
      %lt3A_223 = arith.cmpi slt, %add3A_217, %lt3A_222 : vector<16xi32>
      %and3A_224 = arith.andi %eq3A, %lt3A_223 : vector<16xi1>
      %or3A = arith.ori %lt3A_214, %and3A_224 : vector<16xi1>
      %add3A_225 = arith.constant 2 : i32
      %add3A_226 = vector.broadcast %add3A_225 : i32 to vector<16xi32>
      %add3A_227 = arith.addi %add3A_211, %add3A_226 : vector<16xi32>
      %and3A_228 = arith.constant 31 : i32
      %and3A_229 = vector.broadcast %and3A_228 : i32 to vector<16xi32>
      %and3A_230 = arith.andi %add3A_227, %and3A_229 : vector<16xi32>
      %gather3A_231 = tpu.vector_load_idx %arg9[%and3A_230] : memref<32xi32, #tpu.memory_space<vmem>>[vector<16xi32>], vector<16xi32>,
      %eq3A_232 = arith.cmpi eq, %get3A_208, %gather3A_231 : vector<16xi32>
      %lt3A_233 = arith.constant 32 : i32
      %lt3A_234 = vector.broadcast %lt3A_233 : i32 to vector<16xi32>
      %lt3A_235 = arith.cmpi slt, %add3A_227, %lt3A_234 : vector<16xi32>
      %and3A_236 = arith.andi %eq3A_232, %lt3A_235 : vector<16xi1>
      %or3A_237 = arith.ori %or3A, %and3A_236 : vector<16xi1>
      %add3A_238 = arith.constant 3 : i32
      %add3A_239 = vector.broadcast %add3A_238 : i32 to vector<16xi32>
      %add3A_240 = arith.addi %add3A_211, %add3A_239 : vector<16xi32>
      %and3A_241 = arith.constant 31 : i32
      %and3A_242 = vector.broadcast %and3A_241 : i32 to vector<16xi32>
      %and3A_243 = arith.andi %add3A_240, %and3A_242 : vector<16xi32>
      %gather3A_244 = tpu.vector_load_idx %arg9[%and3A_243] : memref<32xi32, #tpu.memory_space<vmem>>[vector<16xi32>], vector<16xi32>,
      %eq3A_245 = arith.cmpi eq, %get3A_208, %gather3A_244 : vector<16xi32>
      %lt3A_246 = arith.constant 32 : i32
      %lt3A_247 = vector.broadcast %lt3A_246 : i32 to vector<16xi32>
      %lt3A_248 = arith.cmpi slt, %add3A_240, %lt3A_247 : vector<16xi32>
      %and3A_249 = arith.andi %eq3A_245, %lt3A_248 : vector<16xi1>
      %or3A_250 = arith.ori %or3A_237, %and3A_249 : vector<16xi1>
      %add3A_251 = arith.constant 4 : i32
      %add3A_252 = vector.broadcast %add3A_251 : i32 to vector<16xi32>
      %add3A_253 = arith.addi %add3A_211, %add3A_252 : vector<16xi32>
      %and3A_254 = arith.constant 31 : i32
      %and3A_255 = vector.broadcast %and3A_254 : i32 to vector<16xi32>
      %and3A_256 = arith.andi %add3A_253, %and3A_255 : vector<16xi32>
      %gather3A_257 = tpu.vector_load_idx %arg9[%and3A_256] : memref<32xi32, #tpu.memory_space<vmem>>[vector<16xi32>], vector<16xi32>,
      %eq3A_258 = arith.cmpi eq, %get3A_208, %gather3A_257 : vector<16xi32>
      %lt3A_259 = arith.constant 32 : i32
      %lt3A_260 = vector.broadcast %lt3A_259 : i32 to vector<16xi32>
      %lt3A_261 = arith.cmpi slt, %add3A_253, %lt3A_260 : vector<16xi32>
      %and3A_262 = arith.andi %eq3A_258, %lt3A_261 : vector<16xi1>
      %or3A_263 = arith.ori %or3A_250, %and3A_262 : vector<16xi1>
      %add3A_264 = arith.constant 5 : i32
      %add3A_265 = vector.broadcast %add3A_264 : i32 to vector<16xi32>
      %add3A_266 = arith.addi %add3A_211, %add3A_265 : vector<16xi32>
      %and3A_267 = arith.constant 31 : i32
      %and3A_268 = vector.broadcast %and3A_267 : i32 to vector<16xi32>
      %and3A_269 = arith.andi %add3A_266, %and3A_268 : vector<16xi32>
      %gather3A_270 = tpu.vector_load_idx %arg9[%and3A_269] : memref<32xi32, #tpu.memory_space<vmem>>[vector<16xi32>], vector<16xi32>,
      %eq3A_271 = arith.cmpi eq, %get3A_208, %gather3A_270 : vector<16xi32>
      %lt3A_272 = arith.constant 32 : i32
      %lt3A_273 = vector.broadcast %lt3A_272 : i32 to vector<16xi32>
      %lt3A_274 = arith.cmpi slt, %add3A_266, %lt3A_273 : vector<16xi32>
      %and3A_275 = arith.andi %eq3A_271, %lt3A_274 : vector<16xi1>
      %or3A_276 = arith.ori %or3A_263, %and3A_275 : vector<16xi1>
      %add3A_277 = arith.constant 6 : i32
      %add3A_278 = vector.broadcast %add3A_277 : i32 to vector<16xi32>
      %add3A_279 = arith.addi %add3A_211, %add3A_278 : vector<16xi32>
      %and3A_280 = arith.constant 31 : i32
      %and3A_281 = vector.broadcast %and3A_280 : i32 to vector<16xi32>
      %and3A_282 = arith.andi %add3A_279, %and3A_281 : vector<16xi32>
      %gather3A_283 = tpu.vector_load_idx %arg9[%and3A_282] : memref<32xi32, #tpu.memory_space<vmem>>[vector<16xi32>], vector<16xi32>,
      %eq3A_284 = arith.cmpi eq, %get3A_208, %gather3A_283 : vector<16xi32>
      %lt3A_285 = arith.constant 32 : i32
      %lt3A_286 = vector.broadcast %lt3A_285 : i32 to vector<16xi32>
      %lt3A_287 = arith.cmpi slt, %add3A_279, %lt3A_286 : vector<16xi32>
      %and3A_288 = arith.andi %eq3A_284, %lt3A_287 : vector<16xi1>
      %or3A_289 = arith.ori %or3A_276, %and3A_288 : vector<16xi1>
      %add3A_290 = arith.constant 7 : i32
      %add3A_291 = vector.broadcast %add3A_290 : i32 to vector<16xi32>
      %add3A_292 = arith.addi %add3A_211, %add3A_291 : vector<16xi32>
      %and3A_293 = arith.constant 31 : i32
      %and3A_294 = vector.broadcast %and3A_293 : i32 to vector<16xi32>
      %and3A_295 = arith.andi %add3A_292, %and3A_294 : vector<16xi32>
      %gather3A_296 = tpu.vector_load_idx %arg9[%and3A_295] : memref<32xi32, #tpu.memory_space<vmem>>[vector<16xi32>], vector<16xi32>,
      %eq3A_297 = arith.cmpi eq, %get3A_208, %gather3A_296 : vector<16xi32>
      %lt3A_298 = arith.constant 32 : i32
      %lt3A_299 = vector.broadcast %lt3A_298 : i32 to vector<16xi32>
      %lt3A_300 = arith.cmpi slt, %add3A_292, %lt3A_299 : vector<16xi32>
      %and3A_301 = arith.andi %eq3A_297, %lt3A_300 : vector<16xi1>
      %or3A_302 = arith.ori %or3A_289, %and3A_301 : vector<16xi1>
      %add3A_303 = arith.constant 8 : i32
      %add3A_304 = vector.broadcast %add3A_303 : i32 to vector<16xi32>
      %add3A_305 = arith.addi %add3A_211, %add3A_304 : vector<16xi32>
      %and3A_306 = arith.constant 31 : i32
      %and3A_307 = vector.broadcast %and3A_306 : i32 to vector<16xi32>
      %and3A_308 = arith.andi %add3A_305, %and3A_307 : vector<16xi32>
      %gather3A_309 = tpu.vector_load_idx %arg9[%and3A_308] : memref<32xi32, #tpu.memory_space<vmem>>[vector<16xi32>], vector<16xi32>,
      %eq3A_310 = arith.cmpi eq, %get3A_208, %gather3A_309 : vector<16xi32>
      %lt3A_311 = arith.constant 32 : i32
      %lt3A_312 = vector.broadcast %lt3A_311 : i32 to vector<16xi32>
      %lt3A_313 = arith.cmpi slt, %add3A_305, %lt3A_312 : vector<16xi32>
      %and3A_314 = arith.andi %eq3A_310, %lt3A_313 : vector<16xi1>
      %or3A_315 = arith.ori %or3A_302, %and3A_314 : vector<16xi1>
      %add3A_316 = arith.constant 9 : i32
      %add3A_317 = vector.broadcast %add3A_316 : i32 to vector<16xi32>
      %add3A_318 = arith.addi %add3A_211, %add3A_317 : vector<16xi32>
      %and3A_319 = arith.constant 31 : i32
      %and3A_320 = vector.broadcast %and3A_319 : i32 to vector<16xi32>
      %and3A_321 = arith.andi %add3A_318, %and3A_320 : vector<16xi32>
      %gather3A_322 = tpu.vector_load_idx %arg9[%and3A_321] : memref<32xi32, #tpu.memory_space<vmem>>[vector<16xi32>], vector<16xi32>,
      %eq3A_323 = arith.cmpi eq, %get3A_208, %gather3A_322 : vector<16xi32>
      %lt3A_324 = arith.constant 32 : i32
      %lt3A_325 = vector.broadcast %lt3A_324 : i32 to vector<16xi32>
      %lt3A_326 = arith.cmpi slt, %add3A_318, %lt3A_325 : vector<16xi32>
      %and3A_327 = arith.andi %eq3A_323, %lt3A_326 : vector<16xi1>
      %or3A_328 = arith.ori %or3A_315, %and3A_327 : vector<16xi1>
      %add3A_329 = arith.constant 10 : i32
      %add3A_330 = vector.broadcast %add3A_329 : i32 to vector<16xi32>
      %add3A_331 = arith.addi %add3A_211, %add3A_330 : vector<16xi32>
      %and3A_332 = arith.constant 31 : i32
      %and3A_333 = vector.broadcast %and3A_332 : i32 to vector<16xi32>
      %and3A_334 = arith.andi %add3A_331, %and3A_333 : vector<16xi32>
      %gather3A_335 = tpu.vector_load_idx %arg9[%and3A_334] : memref<32xi32, #tpu.memory_space<vmem>>[vector<16xi32>], vector<16xi32>,
      %eq3A_336 = arith.cmpi eq, %get3A_208, %gather3A_335 : vector<16xi32>
      %lt3A_337 = arith.constant 32 : i32
      %lt3A_338 = vector.broadcast %lt3A_337 : i32 to vector<16xi32>
      %lt3A_339 = arith.cmpi slt, %add3A_331, %lt3A_338 : vector<16xi32>
      %and3A_340 = arith.andi %eq3A_336, %lt3A_339 : vector<16xi1>
      %or3A_341 = arith.ori %or3A_328, %and3A_340 : vector<16xi1>
      %add3A_342 = arith.constant 11 : i32
      %add3A_343 = vector.broadcast %add3A_342 : i32 to vector<16xi32>
      %add3A_344 = arith.addi %add3A_211, %add3A_343 : vector<16xi32>
      %and3A_345 = arith.constant 31 : i32
      %and3A_346 = vector.broadcast %and3A_345 : i32 to vector<16xi32>
      %and3A_347 = arith.andi %add3A_344, %and3A_346 : vector<16xi32>
      %gather3A_348 = tpu.vector_load_idx %arg9[%and3A_347] : memref<32xi32, #tpu.memory_space<vmem>>[vector<16xi32>], vector<16xi32>,
      %eq3A_349 = arith.cmpi eq, %get3A_208, %gather3A_348 : vector<16xi32>
      %lt3A_350 = arith.constant 32 : i32
      %lt3A_351 = vector.broadcast %lt3A_350 : i32 to vector<16xi32>
      %lt3A_352 = arith.cmpi slt, %add3A_344, %lt3A_351 : vector<16xi32>
      %and3A_353 = arith.andi %eq3A_349, %lt3A_352 : vector<16xi1>
      %or3A_354 = arith.ori %or3A_341, %and3A_353 : vector<16xi1>
      %add3A_355 = arith.constant 12 : i32
      %add3A_356 = vector.broadcast %add3A_355 : i32 to vector<16xi32>
      %add3A_357 = arith.addi %add3A_211, %add3A_356 : vector<16xi32>
      %and3A_358 = arith.constant 31 : i32
      %and3A_359 = vector.broadcast %and3A_358 : i32 to vector<16xi32>
      %and3A_360 = arith.andi %add3A_357, %and3A_359 : vector<16xi32>
      %gather3A_361 = tpu.vector_load_idx %arg9[%and3A_360] : memref<32xi32, #tpu.memory_space<vmem>>[vector<16xi32>], vector<16xi32>,
      %eq3A_362 = arith.cmpi eq, %get3A_208, %gather3A_361 : vector<16xi32>
      %lt3A_363 = arith.constant 32 : i32
      %lt3A_364 = vector.broadcast %lt3A_363 : i32 to vector<16xi32>
      %lt3A_365 = arith.cmpi slt, %add3A_357, %lt3A_364 : vector<16xi32>
      %and3A_366 = arith.andi %eq3A_362, %lt3A_365 : vector<16xi1>
      %or3A_367 = arith.ori %or3A_354, %and3A_366 : vector<16xi1>
      %add3A_368 = arith.constant 13 : i32
      %add3A_369 = vector.broadcast %add3A_368 : i32 to vector<16xi32>
      %add3A_370 = arith.addi %add3A_211, %add3A_369 : vector<16xi32>
      %and3A_371 = arith.constant 31 : i32
      %and3A_372 = vector.broadcast %and3A_371 : i32 to vector<16xi32>
      %and3A_373 = arith.andi %add3A_370, %and3A_372 : vector<16xi32>
      %gather3A_374 = tpu.vector_load_idx %arg9[%and3A_373] : memref<32xi32, #tpu.memory_space<vmem>>[vector<16xi32>], vector<16xi32>,
      %eq3A_375 = arith.cmpi eq, %get3A_208, %gather3A_374 : vector<16xi32>
      %lt3A_376 = arith.constant 32 : i32
      %lt3A_377 = vector.broadcast %lt3A_376 : i32 to vector<16xi32>
      %lt3A_378 = arith.cmpi slt, %add3A_370, %lt3A_377 : vector<16xi32>
      %and3A_379 = arith.andi %eq3A_375, %lt3A_378 : vector<16xi1>
      %or3A_380 = arith.ori %or3A_367, %and3A_379 : vector<16xi1>
      %add3A_381 = arith.constant 14 : i32
      %add3A_382 = vector.broadcast %add3A_381 : i32 to vector<16xi32>
      %add3A_383 = arith.addi %add3A_211, %add3A_382 : vector<16xi32>
      %and3A_384 = arith.constant 31 : i32
      %and3A_385 = vector.broadcast %and3A_384 : i32 to vector<16xi32>
      %and3A_386 = arith.andi %add3A_383, %and3A_385 : vector<16xi32>
      %gather3A_387 = tpu.vector_load_idx %arg9[%and3A_386] : memref<32xi32, #tpu.memory_space<vmem>>[vector<16xi32>], vector<16xi32>,
      %eq3A_388 = arith.cmpi eq, %get3A_208, %gather3A_387 : vector<16xi32>
      %lt3A_389 = arith.constant 32 : i32
      %lt3A_390 = vector.broadcast %lt3A_389 : i32 to vector<16xi32>
      %lt3A_391 = arith.cmpi slt, %add3A_383, %lt3A_390 : vector<16xi32>
      %and3A_392 = arith.andi %eq3A_388, %lt3A_391 : vector<16xi1>
      %or3A_393 = arith.ori %or3A_380, %and3A_392 : vector<16xi1>
      %add3A_394 = arith.constant 15 : i32
      %add3A_395 = vector.broadcast %add3A_394 : i32 to vector<16xi32>
      %add3A_396 = arith.addi %add3A_211, %add3A_395 : vector<16xi32>
      %and3A_397 = arith.constant 31 : i32
      %and3A_398 = vector.broadcast %and3A_397 : i32 to vector<16xi32>
      %and3A_399 = arith.andi %add3A_396, %and3A_398 : vector<16xi32>
      %gather3A_400 = tpu.vector_load_idx %arg9[%and3A_399] : memref<32xi32, #tpu.memory_space<vmem>>[vector<16xi32>], vector<16xi32>,
      %eq3A_401 = arith.cmpi eq, %get3A_208, %gather3A_400 : vector<16xi32>
      %lt3A_402 = arith.constant 32 : i32
      %lt3A_403 = vector.broadcast %lt3A_402 : i32 to vector<16xi32>
      %lt3A_404 = arith.cmpi slt, %add3A_396, %lt3A_403 : vector<16xi32>
      %and3A_405 = arith.andi %eq3A_401, %lt3A_404 : vector<16xi1>
      %or3A_406 = arith.ori %or3A_393, %and3A_405 : vector<16xi1>
      %add3A_407 = arith.constant 16 : i32
      %add3A_408 = vector.broadcast %add3A_407 : i32 to vector<16xi32>
      %add3A_409 = arith.addi %add3A_211, %add3A_408 : vector<16xi32>
      %and3A_410 = arith.constant 31 : i32
      %and3A_411 = vector.broadcast %and3A_410 : i32 to vector<16xi32>
      %and3A_412 = arith.andi %add3A_409, %and3A_411 : vector<16xi32>
      %gather3A_413 = tpu.vector_load_idx %arg9[%and3A_412] : memref<32xi32, #tpu.memory_space<vmem>>[vector<16xi32>], vector<16xi32>,
      %eq3A_414 = arith.cmpi eq, %get3A_208, %gather3A_413 : vector<16xi32>
      %lt3A_415 = arith.constant 32 : i32
      %lt3A_416 = vector.broadcast %lt3A_415 : i32 to vector<16xi32>
      %lt3A_417 = arith.cmpi slt, %add3A_409, %lt3A_416 : vector<16xi32>
      %and3A_418 = arith.andi %eq3A_414, %lt3A_417 : vector<16xi1>
      %or3A_419 = arith.ori %or3A_406, %and3A_418 : vector<16xi1>
      %add3A_420 = arith.constant 17 : i32
      %add3A_421 = vector.broadcast %add3A_420 : i32 to vector<16xi32>
      %add3A_422 = arith.addi %add3A_211, %add3A_421 : vector<16xi32>
      %and3A_423 = arith.constant 31 : i32
      %and3A_424 = vector.broadcast %and3A_423 : i32 to vector<16xi32>
      %and3A_425 = arith.andi %add3A_422, %and3A_424 : vector<16xi32>
      %gather3A_426 = tpu.vector_load_idx %arg9[%and3A_425] : memref<32xi32, #tpu.memory_space<vmem>>[vector<16xi32>], vector<16xi32>,
      %eq3A_427 = arith.cmpi eq, %get3A_208, %gather3A_426 : vector<16xi32>
      %lt3A_428 = arith.constant 32 : i32
      %lt3A_429 = vector.broadcast %lt3A_428 : i32 to vector<16xi32>
      %lt3A_430 = arith.cmpi slt, %add3A_422, %lt3A_429 : vector<16xi32>
      %and3A_431 = arith.andi %eq3A_427, %lt3A_430 : vector<16xi1>
      %or3A_432 = arith.ori %or3A_419, %and3A_431 : vector<16xi1>
      %add3A_433 = arith.constant 18 : i32
      %add3A_434 = vector.broadcast %add3A_433 : i32 to vector<16xi32>
      %add3A_435 = arith.addi %add3A_211, %add3A_434 : vector<16xi32>
      %and3A_436 = arith.constant 31 : i32
      %and3A_437 = vector.broadcast %and3A_436 : i32 to vector<16xi32>
      %and3A_438 = arith.andi %add3A_435, %and3A_437 : vector<16xi32>
      %gather3A_439 = tpu.vector_load_idx %arg9[%and3A_438] : memref<32xi32, #tpu.memory_space<vmem>>[vector<16xi32>], vector<16xi32>,
      %eq3A_440 = arith.cmpi eq, %get3A_208, %gather3A_439 : vector<16xi32>
      %lt3A_441 = arith.constant 32 : i32
      %lt3A_442 = vector.broadcast %lt3A_441 : i32 to vector<16xi32>
      %lt3A_443 = arith.cmpi slt, %add3A_435, %lt3A_442 : vector<16xi32>
      %and3A_444 = arith.andi %eq3A_440, %lt3A_443 : vector<16xi1>
      %or3A_445 = arith.ori %or3A_432, %and3A_444 : vector<16xi1>
      %add3A_446 = arith.constant 19 : i32
      %add3A_447 = vector.broadcast %add3A_446 : i32 to vector<16xi32>
      %add3A_448 = arith.addi %add3A_211, %add3A_447 : vector<16xi32>
      %and3A_449 = arith.constant 31 : i32
      %and3A_450 = vector.broadcast %and3A_449 : i32 to vector<16xi32>
      %and3A_451 = arith.andi %add3A_448, %and3A_450 : vector<16xi32>
      %gather3A_452 = tpu.vector_load_idx %arg9[%and3A_451] : memref<32xi32, #tpu.memory_space<vmem>>[vector<16xi32>], vector<16xi32>,
      %eq3A_453 = arith.cmpi eq, %get3A_208, %gather3A_452 : vector<16xi32>
      %lt3A_454 = arith.constant 32 : i32
      %lt3A_455 = vector.broadcast %lt3A_454 : i32 to vector<16xi32>
      %lt3A_456 = arith.cmpi slt, %add3A_448, %lt3A_455 : vector<16xi32>
      %and3A_457 = arith.andi %eq3A_453, %lt3A_456 : vector<16xi1>
      %or3A_458 = arith.ori %or3A_445, %and3A_457 : vector<16xi1>
      %add3A_459 = arith.constant 20 : i32
      %add3A_460 = vector.broadcast %add3A_459 : i32 to vector<16xi32>
      %add3A_461 = arith.addi %add3A_211, %add3A_460 : vector<16xi32>
      %and3A_462 = arith.constant 31 : i32
      %and3A_463 = vector.broadcast %and3A_462 : i32 to vector<16xi32>
      %and3A_464 = arith.andi %add3A_461, %and3A_463 : vector<16xi32>
      %gather3A_465 = tpu.vector_load_idx %arg9[%and3A_464] : memref<32xi32, #tpu.memory_space<vmem>>[vector<16xi32>], vector<16xi32>,
      %eq3A_466 = arith.cmpi eq, %get3A_208, %gather3A_465 : vector<16xi32>
      %lt3A_467 = arith.constant 32 : i32
      %lt3A_468 = vector.broadcast %lt3A_467 : i32 to vector<16xi32>
      %lt3A_469 = arith.cmpi slt, %add3A_461, %lt3A_468 : vector<16xi32>
      %and3A_470 = arith.andi %eq3A_466, %lt3A_469 : vector<16xi1>
      %or3A_471 = arith.ori %or3A_458, %and3A_470 : vector<16xi1>
      %add3A_472 = arith.constant 21 : i32
      %add3A_473 = vector.broadcast %add3A_472 : i32 to vector<16xi32>
      %add3A_474 = arith.addi %add3A_211, %add3A_473 : vector<16xi32>
      %and3A_475 = arith.constant 31 : i32
      %and3A_476 = vector.broadcast %and3A_475 : i32 to vector<16xi32>
      %and3A_477 = arith.andi %add3A_474, %and3A_476 : vector<16xi32>
      %gather3A_478 = tpu.vector_load_idx %arg9[%and3A_477] : memref<32xi32, #tpu.memory_space<vmem>>[vector<16xi32>], vector<16xi32>,
      %eq3A_479 = arith.cmpi eq, %get3A_208, %gather3A_478 : vector<16xi32>
      %lt3A_480 = arith.constant 32 : i32
      %lt3A_481 = vector.broadcast %lt3A_480 : i32 to vector<16xi32>
      %lt3A_482 = arith.cmpi slt, %add3A_474, %lt3A_481 : vector<16xi32>
      %and3A_483 = arith.andi %eq3A_479, %lt3A_482 : vector<16xi1>
      %or3A_484 = arith.ori %or3A_471, %and3A_483 : vector<16xi1>
      %add3A_485 = arith.constant 22 : i32
      %add3A_486 = vector.broadcast %add3A_485 : i32 to vector<16xi32>
      %add3A_487 = arith.addi %add3A_211, %add3A_486 : vector<16xi32>
      %and3A_488 = arith.constant 31 : i32
      %and3A_489 = vector.broadcast %and3A_488 : i32 to vector<16xi32>
      %and3A_490 = arith.andi %add3A_487, %and3A_489 : vector<16xi32>
      %gather3A_491 = tpu.vector_load_idx %arg9[%and3A_490] : memref<32xi32, #tpu.memory_space<vmem>>[vector<16xi32>], vector<16xi32>,
      %eq3A_492 = arith.cmpi eq, %get3A_208, %gather3A_491 : vector<16xi32>
      %lt3A_493 = arith.constant 32 : i32
      %lt3A_494 = vector.broadcast %lt3A_493 : i32 to vector<16xi32>
      %lt3A_495 = arith.cmpi slt, %add3A_487, %lt3A_494 : vector<16xi32>
      %and3A_496 = arith.andi %eq3A_492, %lt3A_495 : vector<16xi1>
      %or3A_497 = arith.ori %or3A_484, %and3A_496 : vector<16xi1>
      %add3A_498 = arith.constant 23 : i32
      %add3A_499 = vector.broadcast %add3A_498 : i32 to vector<16xi32>
      %add3A_500 = arith.addi %add3A_211, %add3A_499 : vector<16xi32>
      %and3A_501 = arith.constant 31 : i32
      %and3A_502 = vector.broadcast %and3A_501 : i32 to vector<16xi32>
      %and3A_503 = arith.andi %add3A_500, %and3A_502 : vector<16xi32>
      %gather3A_504 = tpu.vector_load_idx %arg9[%and3A_503] : memref<32xi32, #tpu.memory_space<vmem>>[vector<16xi32>], vector<16xi32>,
      %eq3A_505 = arith.cmpi eq, %get3A_208, %gather3A_504 : vector<16xi32>
      %lt3A_506 = arith.constant 32 : i32
      %lt3A_507 = vector.broadcast %lt3A_506 : i32 to vector<16xi32>
      %lt3A_508 = arith.cmpi slt, %add3A_500, %lt3A_507 : vector<16xi32>
      %and3A_509 = arith.andi %eq3A_505, %lt3A_508 : vector<16xi1>
      %or3A_510 = arith.ori %or3A_497, %and3A_509 : vector<16xi1>
      %add3A_511 = arith.constant 24 : i32
      %add3A_512 = vector.broadcast %add3A_511 : i32 to vector<16xi32>
      %add3A_513 = arith.addi %add3A_211, %add3A_512 : vector<16xi32>
      %and3A_514 = arith.constant 31 : i32
      %and3A_515 = vector.broadcast %and3A_514 : i32 to vector<16xi32>
      %and3A_516 = arith.andi %add3A_513, %and3A_515 : vector<16xi32>
      %gather3A_517 = tpu.vector_load_idx %arg9[%and3A_516] : memref<32xi32, #tpu.memory_space<vmem>>[vector<16xi32>], vector<16xi32>,
      %eq3A_518 = arith.cmpi eq, %get3A_208, %gather3A_517 : vector<16xi32>
      %lt3A_519 = arith.constant 32 : i32
      %lt3A_520 = vector.broadcast %lt3A_519 : i32 to vector<16xi32>
      %lt3A_521 = arith.cmpi slt, %add3A_513, %lt3A_520 : vector<16xi32>
      %and3A_522 = arith.andi %eq3A_518, %lt3A_521 : vector<16xi1>
      %or3A_523 = arith.ori %or3A_510, %and3A_522 : vector<16xi1>
      %add3A_524 = arith.constant 25 : i32
      %add3A_525 = vector.broadcast %add3A_524 : i32 to vector<16xi32>
      %add3A_526 = arith.addi %add3A_211, %add3A_525 : vector<16xi32>
      %and3A_527 = arith.constant 31 : i32
      %and3A_528 = vector.broadcast %and3A_527 : i32 to vector<16xi32>
      %and3A_529 = arith.andi %add3A_526, %and3A_528 : vector<16xi32>
      %gather3A_530 = tpu.vector_load_idx %arg9[%and3A_529] : memref<32xi32, #tpu.memory_space<vmem>>[vector<16xi32>], vector<16xi32>,
      %eq3A_531 = arith.cmpi eq, %get3A_208, %gather3A_530 : vector<16xi32>
      %lt3A_532 = arith.constant 32 : i32
      %lt3A_533 = vector.broadcast %lt3A_532 : i32 to vector<16xi32>
      %lt3A_534 = arith.cmpi slt, %add3A_526, %lt3A_533 : vector<16xi32>
      %and3A_535 = arith.andi %eq3A_531, %lt3A_534 : vector<16xi1>
      %or3A_536 = arith.ori %or3A_523, %and3A_535 : vector<16xi1>
      %add3A_537 = arith.constant 26 : i32
      %add3A_538 = vector.broadcast %add3A_537 : i32 to vector<16xi32>
      %add3A_539 = arith.addi %add3A_211, %add3A_538 : vector<16xi32>
      %and3A_540 = arith.constant 31 : i32
      %and3A_541 = vector.broadcast %and3A_540 : i32 to vector<16xi32>
      %and3A_542 = arith.andi %add3A_539, %and3A_541 : vector<16xi32>
      %gather3A_543 = tpu.vector_load_idx %arg9[%and3A_542] : memref<32xi32, #tpu.memory_space<vmem>>[vector<16xi32>], vector<16xi32>,
      %eq3A_544 = arith.cmpi eq, %get3A_208, %gather3A_543 : vector<16xi32>
      %lt3A_545 = arith.constant 32 : i32
      %lt3A_546 = vector.broadcast %lt3A_545 : i32 to vector<16xi32>
      %lt3A_547 = arith.cmpi slt, %add3A_539, %lt3A_546 : vector<16xi32>
      %and3A_548 = arith.andi %eq3A_544, %lt3A_547 : vector<16xi1>
      %or3A_549 = arith.ori %or3A_536, %and3A_548 : vector<16xi1>
      %add3A_550 = arith.constant 27 : i32
      %add3A_551 = vector.broadcast %add3A_550 : i32 to vector<16xi32>
      %add3A_552 = arith.addi %add3A_211, %add3A_551 : vector<16xi32>
      %and3A_553 = arith.constant 31 : i32
      %and3A_554 = vector.broadcast %and3A_553 : i32 to vector<16xi32>
      %and3A_555 = arith.andi %add3A_552, %and3A_554 : vector<16xi32>
      %gather3A_556 = tpu.vector_load_idx %arg9[%and3A_555] : memref<32xi32, #tpu.memory_space<vmem>>[vector<16xi32>], vector<16xi32>,
      %eq3A_557 = arith.cmpi eq, %get3A_208, %gather3A_556 : vector<16xi32>
      %lt3A_558 = arith.constant 32 : i32
      %lt3A_559 = vector.broadcast %lt3A_558 : i32 to vector<16xi32>
      %lt3A_560 = arith.cmpi slt, %add3A_552, %lt3A_559 : vector<16xi32>
      %and3A_561 = arith.andi %eq3A_557, %lt3A_560 : vector<16xi1>
      %or3A_562 = arith.ori %or3A_549, %and3A_561 : vector<16xi1>
      %add3A_563 = arith.constant 28 : i32
      %add3A_564 = vector.broadcast %add3A_563 : i32 to vector<16xi32>
      %add3A_565 = arith.addi %add3A_211, %add3A_564 : vector<16xi32>
      %and3A_566 = arith.constant 31 : i32
      %and3A_567 = vector.broadcast %and3A_566 : i32 to vector<16xi32>
      %and3A_568 = arith.andi %add3A_565, %and3A_567 : vector<16xi32>
      %gather3A_569 = tpu.vector_load_idx %arg9[%and3A_568] : memref<32xi32, #tpu.memory_space<vmem>>[vector<16xi32>], vector<16xi32>,
      %eq3A_570 = arith.cmpi eq, %get3A_208, %gather3A_569 : vector<16xi32>
      %lt3A_571 = arith.constant 32 : i32
      %lt3A_572 = vector.broadcast %lt3A_571 : i32 to vector<16xi32>
      %lt3A_573 = arith.cmpi slt, %add3A_565, %lt3A_572 : vector<16xi32>
      %and3A_574 = arith.andi %eq3A_570, %lt3A_573 : vector<16xi1>
      %or3A_575 = arith.ori %or3A_562, %and3A_574 : vector<16xi1>
      %add3A_576 = arith.constant 29 : i32
      %add3A_577 = vector.broadcast %add3A_576 : i32 to vector<16xi32>
      %add3A_578 = arith.addi %add3A_211, %add3A_577 : vector<16xi32>
      %and3A_579 = arith.constant 31 : i32
      %and3A_580 = vector.broadcast %and3A_579 : i32 to vector<16xi32>
      %and3A_581 = arith.andi %add3A_578, %and3A_580 : vector<16xi32>
      %gather3A_582 = tpu.vector_load_idx %arg9[%and3A_581] : memref<32xi32, #tpu.memory_space<vmem>>[vector<16xi32>], vector<16xi32>,
      %eq3A_583 = arith.cmpi eq, %get3A_208, %gather3A_582 : vector<16xi32>
      %lt3A_584 = arith.constant 32 : i32
      %lt3A_585 = vector.broadcast %lt3A_584 : i32 to vector<16xi32>
      %lt3A_586 = arith.cmpi slt, %add3A_578, %lt3A_585 : vector<16xi32>
      %and3A_587 = arith.andi %eq3A_583, %lt3A_586 : vector<16xi1>
      %or3A_588 = arith.ori %or3A_575, %and3A_587 : vector<16xi1>
      %add3A_589 = arith.constant 30 : i32
      %add3A_590 = vector.broadcast %add3A_589 : i32 to vector<16xi32>
      %add3A_591 = arith.addi %add3A_211, %add3A_590 : vector<16xi32>
      %and3A_592 = arith.constant 31 : i32
      %and3A_593 = vector.broadcast %and3A_592 : i32 to vector<16xi32>
      %and3A_594 = arith.andi %add3A_591, %and3A_593 : vector<16xi32>
      %gather3A_595 = tpu.vector_load_idx %arg9[%and3A_594] : memref<32xi32, #tpu.memory_space<vmem>>[vector<16xi32>], vector<16xi32>,
      %eq3A_596 = arith.cmpi eq, %get3A_208, %gather3A_595 : vector<16xi32>
      %lt3A_597 = arith.constant 32 : i32
      %lt3A_598 = vector.broadcast %lt3A_597 : i32 to vector<16xi32>
      %lt3A_599 = arith.cmpi slt, %add3A_591, %lt3A_598 : vector<16xi32>
      %and3A_600 = arith.andi %eq3A_596, %lt3A_599 : vector<16xi1>
      %or3A_601 = arith.ori %or3A_588, %and3A_600 : vector<16xi1>
      %add3A_602 = arith.constant 31 : i32
      %add3A_603 = vector.broadcast %add3A_602 : i32 to vector<16xi32>
      %add3A_604 = arith.addi %add3A_211, %add3A_603 : vector<16xi32>
      %and3A_605 = arith.constant 31 : i32
      %and3A_606 = vector.broadcast %and3A_605 : i32 to vector<16xi32>
      %and3A_607 = arith.andi %add3A_604, %and3A_606 : vector<16xi32>
      %gather3A_608 = tpu.vector_load_idx %arg9[%and3A_607] : memref<32xi32, #tpu.memory_space<vmem>>[vector<16xi32>], vector<16xi32>,
      %eq3A_609 = arith.cmpi eq, %get3A_208, %gather3A_608 : vector<16xi32>
      %lt3A_610 = arith.constant 32 : i32
      %lt3A_611 = vector.broadcast %lt3A_610 : i32 to vector<16xi32>
      %lt3A_612 = arith.cmpi slt, %add3A_604, %lt3A_611 : vector<16xi32>
      %and3A_613 = arith.andi %eq3A_609, %lt3A_612 : vector<16xi1>
      %or3A_614 = arith.ori %or3A_601, %and3A_613 : vector<16xi1>
      %ge3A_615 = arith.constant 0 : i32
      %ge3A_616 = vector.broadcast %ge3A_615 : i32 to vector<16xi32>
      %ge3A_617 = arith.cmpi sge, %get3A_208, %ge3A_616 : vector<16xi32>
      %not3A = arith.constant dense<true> : vector<16xi1>
      %not3A_618 = arith.xori %or3A_614, %not3A : vector<16xi1>
      %and3A_619 = arith.andi %ge3A_617, %not3A_618 : vector<16xi1>
      %jit3A_620 = arith.constant 1.000000e+00 : f32
      %jit3A_621 = arith.constant 0.000000e+00 : f32
      %broadcast_in_dim3A_622 = vector.broadcast %jit3A_620 : f32 to vector<16xf32>
      %broadcast_in_dim3A_623 = vector.broadcast %jit3A_621 : f32 to vector<16xf32>
      %select_n3A_624 = arith.select %and3A_619, %broadcast_in_dim3A_622, %broadcast_in_dim3A_623 : vector<16xi1>, vector<16xf32>
      %reduce_sum3A = arith.constant true
      %reduce_sum3A_625 = vector.broadcast %reduce_sum3A : i1 to vector<16xi1>
      %reduce_sum3A_626 = tpu.scan <sum>, %select_n3A_624 masked %reduce_sum3A_625 : vector<16xf32>, vector<16xi1> -> vector<16xf32>
      %reduce_sum3A_627 = vector.extract %reduce_sum3A_626[15] : f32 from vector<16xf32>
      %add3A_628 = arith.constant 0.000000e+00 : f32
      %add3A_629 = arith.addf %add3A_628, %reduce_sum3A_627 : f32
      %get3A_630 = arith.constant 0 : index
      %get3A_631 = tpu.vector_load %arg13[%get3A_630] {strides = array<i32>} : memref<64xf32, #tpu.memory_space<vmem>>, vector<16xf32>,
      %get3A_632 = arith.constant 32 : index
      %get3A_633 = tpu.vector_load %arg13[%get3A_632] {strides = array<i32>} : memref<64xf32, #tpu.memory_space<vmem>>, vector<16xf32>,
      %sub3A_634 = arith.subf %get3A_631, %get3A_633 : vector<16xf32>
      %mul3A_635 = arith.mulf %select_n3A_624, %sub3A_634 : vector<16xf32>
      %reduce_sum3A_636 = arith.constant true
      %reduce_sum3A_637 = vector.broadcast %reduce_sum3A_636 : i1 to vector<16xi1>
      %reduce_sum3A_638 = tpu.scan <sum>, %mul3A_635 masked %reduce_sum3A_637 : vector<16xf32>, vector<16xi1> -> vector<16xf32>
      %reduce_sum3A_639 = vector.extract %reduce_sum3A_638[15] : f32 from vector<16xf32>
      %add3A_640 = arith.constant 0.000000e+00 : f32
      %add3A_641 = arith.addf %add3A_640, %reduce_sum3A_639 : f32
      %get3A_642 = arith.constant 0 : index
      %get3A_643 = tpu.vector_load %arg14[%get3A_642] {strides = array<i32>} : memref<128xf32, #tpu.memory_space<vmem>>, vector<16xf32>,
      %get3A_644 = arith.constant 0 : i32
      %get3A_645 = arith.index_cast %get3A_644 : i32 to index
      %get3A_646 = arith.constant 0 : index
      %get3A_647 = tpu.vector_load %arg7[%get3A_645, %get3A_646] {strides = array<i32>} : memref<4x32xf32, #tpu.memory_space<vmem>>, vector<16xf32>,
      %sub3A_648 = arith.subf %get3A_643, %get3A_647 : vector<16xf32>
      %abs3A = math.absf %sub3A_648 : vector<16xf32>
      %lt3A_649 = arith.constant 1.000000e+00 : f32
      %lt3A_650 = vector.broadcast %lt3A_649 : f32 to vector<16xf32>
      %lt3A_651 = arith.cmpf olt, %abs3A, %lt3A_650 : vector<16xf32>
      %mul3A_652 = arith.constant 5.000000e-01 : f32
      %mul3A_653 = vector.broadcast %mul3A_652 : f32 to vector<16xf32>
      %mul3A_654 = arith.mulf %mul3A_653, %sub3A_648 : vector<16xf32>
      %mul3A_655 = arith.mulf %mul3A_654, %sub3A_648 : vector<16xf32>
      %sub3A_656 = arith.constant 5.000000e-01 : f32
      %sub3A_657 = vector.broadcast %sub3A_656 : f32 to vector<16xf32>
      %sub3A_658 = arith.subf %abs3A, %sub3A_657 : vector<16xf32>
      %select_n3A_659 = arith.select %lt3A_651, %mul3A_655, %sub3A_658 : vector<16xi1>, vector<16xf32>
      %mul3A_660 = arith.mulf %select_n3A_624, %select_n3A_659 : vector<16xf32>
      %reduce_sum3A_661 = arith.constant true
      %reduce_sum3A_662 = vector.broadcast %reduce_sum3A_661 : i1 to vector<16xi1>
      %reduce_sum3A_663 = tpu.scan <sum>, %mul3A_660 masked %reduce_sum3A_662 : vector<16xf32>, vector<16xi1> -> vector<16xf32>
      %reduce_sum3A_664 = vector.extract %reduce_sum3A_663[15] : f32 from vector<16xf32>
      %add3A_665 = arith.constant 0.000000e+00 : f32
      %add3A_666 = arith.addf %add3A_665, %reduce_sum3A_664 : f32
      %get3A_667 = arith.constant 32 : index
      %get3A_668 = tpu.vector_load %arg14[%get3A_667] {strides = array<i32>} : memref<128xf32, #tpu.memory_space<vmem>>, vector<16xf32>,
      %get3A_669 = arith.constant 1 : i32
      %get3A_670 = arith.index_cast %get3A_669 : i32 to index
      %get3A_671 = arith.constant 0 : index
      %get3A_672 = tpu.vector_load %arg7[%get3A_670, %get3A_671] {strides = array<i32>} : memref<4x32xf32, #tpu.memory_space<vmem>>, vector<16xf32>,
      %sub3A_673 = arith.subf %get3A_668, %get3A_672 : vector<16xf32>
      %abs3A_674 = math.absf %sub3A_673 : vector<16xf32>
      %lt3A_675 = arith.constant 1.000000e+00 : f32
      %lt3A_676 = vector.broadcast %lt3A_675 : f32 to vector<16xf32>
      %lt3A_677 = arith.cmpf olt, %abs3A_674, %lt3A_676 : vector<16xf32>
      %mul3A_678 = arith.constant 5.000000e-01 : f32
      %mul3A_679 = vector.broadcast %mul3A_678 : f32 to vector<16xf32>
      %mul3A_680 = arith.mulf %mul3A_679, %sub3A_673 : vector<16xf32>
      %mul3A_681 = arith.mulf %mul3A_680, %sub3A_673 : vector<16xf32>
      %sub3A_682 = arith.constant 5.000000e-01 : f32
      %sub3A_683 = vector.broadcast %sub3A_682 : f32 to vector<16xf32>
      %sub3A_684 = arith.subf %abs3A_674, %sub3A_683 : vector<16xf32>
      %select_n3A_685 = arith.select %lt3A_677, %mul3A_681, %sub3A_684 : vector<16xi1>, vector<16xf32>
      %mul3A_686 = arith.mulf %select_n3A_624, %select_n3A_685 : vector<16xf32>
      %reduce_sum3A_687 = arith.constant true
      %reduce_sum3A_688 = vector.broadcast %reduce_sum3A_687 : i1 to vector<16xi1>
      %reduce_sum3A_689 = tpu.scan <sum>, %mul3A_686 masked %reduce_sum3A_688 : vector<16xf32>, vector<16xi1> -> vector<16xf32>
      %reduce_sum3A_690 = vector.extract %reduce_sum3A_689[15] : f32 from vector<16xf32>
      %add3A_691 = arith.addf %add3A_666, %reduce_sum3A_690 : f32
      %get3A_692 = arith.constant 64 : index
      %get3A_693 = tpu.vector_load %arg14[%get3A_692] {strides = array<i32>} : memref<128xf32, #tpu.memory_space<vmem>>, vector<16xf32>,
      %get3A_694 = arith.constant 2 : i32
      %get3A_695 = arith.index_cast %get3A_694 : i32 to index
      %get3A_696 = arith.constant 0 : index
      %get3A_697 = tpu.vector_load %arg7[%get3A_695, %get3A_696] {strides = array<i32>} : memref<4x32xf32, #tpu.memory_space<vmem>>, vector<16xf32>,
      %sub3A_698 = arith.subf %get3A_693, %get3A_697 : vector<16xf32>
      %abs3A_699 = math.absf %sub3A_698 : vector<16xf32>
      %lt3A_700 = arith.constant 1.000000e+00 : f32
      %lt3A_701 = vector.broadcast %lt3A_700 : f32 to vector<16xf32>
      %lt3A_702 = arith.cmpf olt, %abs3A_699, %lt3A_701 : vector<16xf32>
      %mul3A_703 = arith.constant 5.000000e-01 : f32
      %mul3A_704 = vector.broadcast %mul3A_703 : f32 to vector<16xf32>
      %mul3A_705 = arith.mulf %mul3A_704, %sub3A_698 : vector<16xf32>
      %mul3A_706 = arith.mulf %mul3A_705, %sub3A_698 : vector<16xf32>
      %sub3A_707 = arith.constant 5.000000e-01 : f32
      %sub3A_708 = vector.broadcast %sub3A_707 : f32 to vector<16xf32>
      %sub3A_709 = arith.subf %abs3A_699, %sub3A_708 : vector<16xf32>
      %select_n3A_710 = arith.select %lt3A_702, %mul3A_706, %sub3A_709 : vector<16xi1>, vector<16xf32>
      %mul3A_711 = arith.mulf %select_n3A_624, %select_n3A_710 : vector<16xf32>
      %reduce_sum3A_712 = arith.constant true
      %reduce_sum3A_713 = vector.broadcast %reduce_sum3A_712 : i1 to vector<16xi1>
      %reduce_sum3A_714 = tpu.scan <sum>, %mul3A_711 masked %reduce_sum3A_713 : vector<16xf32>, vector<16xi1> -> vector<16xf32>
      %reduce_sum3A_715 = vector.extract %reduce_sum3A_714[15] : f32 from vector<16xf32>
      %add3A_716 = arith.addf %add3A_691, %reduce_sum3A_715 : f32
      %get3A_717 = arith.constant 96 : index
      %get3A_718 = tpu.vector_load %arg14[%get3A_717] {strides = array<i32>} : memref<128xf32, #tpu.memory_space<vmem>>, vector<16xf32>,
      %get3A_719 = arith.constant 3 : i32
      %get3A_720 = arith.index_cast %get3A_719 : i32 to index
      %get3A_721 = arith.constant 0 : index
      %get3A_722 = tpu.vector_load %arg7[%get3A_720, %get3A_721] {strides = array<i32>} : memref<4x32xf32, #tpu.memory_space<vmem>>, vector<16xf32>,
      %sub3A_723 = arith.subf %get3A_718, %get3A_722 : vector<16xf32>
      %abs3A_724 = math.absf %sub3A_723 : vector<16xf32>
      %lt3A_725 = arith.constant 1.000000e+00 : f32
      %lt3A_726 = vector.broadcast %lt3A_725 : f32 to vector<16xf32>
      %lt3A_727 = arith.cmpf olt, %abs3A_724, %lt3A_726 : vector<16xf32>
      %mul3A_728 = arith.constant 5.000000e-01 : f32
      %mul3A_729 = vector.broadcast %mul3A_728 : f32 to vector<16xf32>
      %mul3A_730 = arith.mulf %mul3A_729, %sub3A_723 : vector<16xf32>
      %mul3A_731 = arith.mulf %mul3A_730, %sub3A_723 : vector<16xf32>
      %sub3A_732 = arith.constant 5.000000e-01 : f32
      %sub3A_733 = vector.broadcast %sub3A_732 : f32 to vector<16xf32>
      %sub3A_734 = arith.subf %abs3A_724, %sub3A_733 : vector<16xf32>
      %select_n3A_735 = arith.select %lt3A_727, %mul3A_731, %sub3A_734 : vector<16xi1>, vector<16xf32>
      %mul3A_736 = arith.mulf %select_n3A_624, %select_n3A_735 : vector<16xf32>
      %reduce_sum3A_737 = arith.constant true
      %reduce_sum3A_738 = vector.broadcast %reduce_sum3A_737 : i1 to vector<16xi1>
      %reduce_sum3A_739 = tpu.scan <sum>, %mul3A_736 masked %reduce_sum3A_738 : vector<16xf32>, vector<16xi1> -> vector<16xf32>
      %reduce_sum3A_740 = vector.extract %reduce_sum3A_739[15] : f32 from vector<16xf32>
      %add3A_741 = arith.addf %add3A_716, %reduce_sum3A_740 : f32
      %get3A_742 = arith.constant 16 : index
      %get3A_743 = tpu.vector_load %arg9[%get3A_742] {strides = array<i32>} : memref<32xi32, #tpu.memory_space<vmem>>, vector<16xi32>,
      %add3A_744 = arith.constant 16 : i32
      %add3A_745 = vector.broadcast %add3A_744 : i32 to vector<16xi32>
      %add3A_746 = arith.addi %iota3A, %add3A_745 : vector<16xi32>
      %lt3A_747 = arith.constant 0 : i32
      %lt3A_748 = vector.broadcast %lt3A_747 : i32 to vector<16xi32>
      %lt3A_749 = arith.cmpi slt, %add3A_746, %lt3A_748 : vector<16xi32>
      %add3A_750 = arith.constant 1 : i32
      %add3A_751 = vector.broadcast %add3A_750 : i32 to vector<16xi32>
      %add3A_752 = arith.addi %add3A_746, %add3A_751 : vector<16xi32>
      %and3A_753 = arith.constant 31 : i32
      %and3A_754 = vector.broadcast %and3A_753 : i32 to vector<16xi32>
      %and3A_755 = arith.andi %add3A_752, %and3A_754 : vector<16xi32>
      %gather3A_756 = tpu.vector_load_idx %arg9[%and3A_755] : memref<32xi32, #tpu.memory_space<vmem>>[vector<16xi32>], vector<16xi32>,
      %eq3A_757 = arith.cmpi eq, %get3A_743, %gather3A_756 : vector<16xi32>
      %lt3A_758 = arith.constant 32 : i32
      %lt3A_759 = vector.broadcast %lt3A_758 : i32 to vector<16xi32>
      %lt3A_760 = arith.cmpi slt, %add3A_752, %lt3A_759 : vector<16xi32>
      %and3A_761 = arith.andi %eq3A_757, %lt3A_760 : vector<16xi1>
      %or3A_762 = arith.ori %lt3A_749, %and3A_761 : vector<16xi1>
      %add3A_763 = arith.constant 2 : i32
      %add3A_764 = vector.broadcast %add3A_763 : i32 to vector<16xi32>
      %add3A_765 = arith.addi %add3A_746, %add3A_764 : vector<16xi32>
      %and3A_766 = arith.constant 31 : i32
      %and3A_767 = vector.broadcast %and3A_766 : i32 to vector<16xi32>
      %and3A_768 = arith.andi %add3A_765, %and3A_767 : vector<16xi32>
      %gather3A_769 = tpu.vector_load_idx %arg9[%and3A_768] : memref<32xi32, #tpu.memory_space<vmem>>[vector<16xi32>], vector<16xi32>,
      %eq3A_770 = arith.cmpi eq, %get3A_743, %gather3A_769 : vector<16xi32>
      %lt3A_771 = arith.constant 32 : i32
      %lt3A_772 = vector.broadcast %lt3A_771 : i32 to vector<16xi32>
      %lt3A_773 = arith.cmpi slt, %add3A_765, %lt3A_772 : vector<16xi32>
      %and3A_774 = arith.andi %eq3A_770, %lt3A_773 : vector<16xi1>
      %or3A_775 = arith.ori %or3A_762, %and3A_774 : vector<16xi1>
      %add3A_776 = arith.constant 3 : i32
      %add3A_777 = vector.broadcast %add3A_776 : i32 to vector<16xi32>
      %add3A_778 = arith.addi %add3A_746, %add3A_777 : vector<16xi32>
      %and3A_779 = arith.constant 31 : i32
      %and3A_780 = vector.broadcast %and3A_779 : i32 to vector<16xi32>
      %and3A_781 = arith.andi %add3A_778, %and3A_780 : vector<16xi32>
      %gather3A_782 = tpu.vector_load_idx %arg9[%and3A_781] : memref<32xi32, #tpu.memory_space<vmem>>[vector<16xi32>], vector<16xi32>,
      %eq3A_783 = arith.cmpi eq, %get3A_743, %gather3A_782 : vector<16xi32>
      %lt3A_784 = arith.constant 32 : i32
      %lt3A_785 = vector.broadcast %lt3A_784 : i32 to vector<16xi32>
      %lt3A_786 = arith.cmpi slt, %add3A_778, %lt3A_785 : vector<16xi32>
      %and3A_787 = arith.andi %eq3A_783, %lt3A_786 : vector<16xi1>
      %or3A_788 = arith.ori %or3A_775, %and3A_787 : vector<16xi1>
      %add3A_789 = arith.constant 4 : i32
      %add3A_790 = vector.broadcast %add3A_789 : i32 to vector<16xi32>
      %add3A_791 = arith.addi %add3A_746, %add3A_790 : vector<16xi32>
      %and3A_792 = arith.constant 31 : i32
      %and3A_793 = vector.broadcast %and3A_792 : i32 to vector<16xi32>
      %and3A_794 = arith.andi %add3A_791, %and3A_793 : vector<16xi32>
      %gather3A_795 = tpu.vector_load_idx %arg9[%and3A_794] : memref<32xi32, #tpu.memory_space<vmem>>[vector<16xi32>], vector<16xi32>,
      %eq3A_796 = arith.cmpi eq, %get3A_743, %gather3A_795 : vector<16xi32>
      %lt3A_797 = arith.constant 32 : i32
      %lt3A_798 = vector.broadcast %lt3A_797 : i32 to vector<16xi32>
      %lt3A_799 = arith.cmpi slt, %add3A_791, %lt3A_798 : vector<16xi32>
      %and3A_800 = arith.andi %eq3A_796, %lt3A_799 : vector<16xi1>
      %or3A_801 = arith.ori %or3A_788, %and3A_800 : vector<16xi1>
      %add3A_802 = arith.constant 5 : i32
      %add3A_803 = vector.broadcast %add3A_802 : i32 to vector<16xi32>
      %add3A_804 = arith.addi %add3A_746, %add3A_803 : vector<16xi32>
      %and3A_805 = arith.constant 31 : i32
      %and3A_806 = vector.broadcast %and3A_805 : i32 to vector<16xi32>
      %and3A_807 = arith.andi %add3A_804, %and3A_806 : vector<16xi32>
      %gather3A_808 = tpu.vector_load_idx %arg9[%and3A_807] : memref<32xi32, #tpu.memory_space<vmem>>[vector<16xi32>], vector<16xi32>,
      %eq3A_809 = arith.cmpi eq, %get3A_743, %gather3A_808 : vector<16xi32>
      %lt3A_810 = arith.constant 32 : i32
      %lt3A_811 = vector.broadcast %lt3A_810 : i32 to vector<16xi32>
      %lt3A_812 = arith.cmpi slt, %add3A_804, %lt3A_811 : vector<16xi32>
      %and3A_813 = arith.andi %eq3A_809, %lt3A_812 : vector<16xi1>
      %or3A_814 = arith.ori %or3A_801, %and3A_813 : vector<16xi1>
      %add3A_815 = arith.constant 6 : i32
      %add3A_816 = vector.broadcast %add3A_815 : i32 to vector<16xi32>
      %add3A_817 = arith.addi %add3A_746, %add3A_816 : vector<16xi32>
      %and3A_818 = arith.constant 31 : i32
      %and3A_819 = vector.broadcast %and3A_818 : i32 to vector<16xi32>
      %and3A_820 = arith.andi %add3A_817, %and3A_819 : vector<16xi32>
      %gather3A_821 = tpu.vector_load_idx %arg9[%and3A_820] : memref<32xi32, #tpu.memory_space<vmem>>[vector<16xi32>], vector<16xi32>,
      %eq3A_822 = arith.cmpi eq, %get3A_743, %gather3A_821 : vector<16xi32>
      %lt3A_823 = arith.constant 32 : i32
      %lt3A_824 = vector.broadcast %lt3A_823 : i32 to vector<16xi32>
      %lt3A_825 = arith.cmpi slt, %add3A_817, %lt3A_824 : vector<16xi32>
      %and3A_826 = arith.andi %eq3A_822, %lt3A_825 : vector<16xi1>
      %or3A_827 = arith.ori %or3A_814, %and3A_826 : vector<16xi1>
      %add3A_828 = arith.constant 7 : i32
      %add3A_829 = vector.broadcast %add3A_828 : i32 to vector<16xi32>
      %add3A_830 = arith.addi %add3A_746, %add3A_829 : vector<16xi32>
      %and3A_831 = arith.constant 31 : i32
      %and3A_832 = vector.broadcast %and3A_831 : i32 to vector<16xi32>
      %and3A_833 = arith.andi %add3A_830, %and3A_832 : vector<16xi32>
      %gather3A_834 = tpu.vector_load_idx %arg9[%and3A_833] : memref<32xi32, #tpu.memory_space<vmem>>[vector<16xi32>], vector<16xi32>,
      %eq3A_835 = arith.cmpi eq, %get3A_743, %gather3A_834 : vector<16xi32>
      %lt3A_836 = arith.constant 32 : i32
      %lt3A_837 = vector.broadcast %lt3A_836 : i32 to vector<16xi32>
      %lt3A_838 = arith.cmpi slt, %add3A_830, %lt3A_837 : vector<16xi32>
      %and3A_839 = arith.andi %eq3A_835, %lt3A_838 : vector<16xi1>
      %or3A_840 = arith.ori %or3A_827, %and3A_839 : vector<16xi1>
      %add3A_841 = arith.constant 8 : i32
      %add3A_842 = vector.broadcast %add3A_841 : i32 to vector<16xi32>
      %add3A_843 = arith.addi %add3A_746, %add3A_842 : vector<16xi32>
      %and3A_844 = arith.constant 31 : i32
      %and3A_845 = vector.broadcast %and3A_844 : i32 to vector<16xi32>
      %and3A_846 = arith.andi %add3A_843, %and3A_845 : vector<16xi32>
      %gather3A_847 = tpu.vector_load_idx %arg9[%and3A_846] : memref<32xi32, #tpu.memory_space<vmem>>[vector<16xi32>], vector<16xi32>,
      %eq3A_848 = arith.cmpi eq, %get3A_743, %gather3A_847 : vector<16xi32>
      %lt3A_849 = arith.constant 32 : i32
      %lt3A_850 = vector.broadcast %lt3A_849 : i32 to vector<16xi32>
      %lt3A_851 = arith.cmpi slt, %add3A_843, %lt3A_850 : vector<16xi32>
      %and3A_852 = arith.andi %eq3A_848, %lt3A_851 : vector<16xi1>
      %or3A_853 = arith.ori %or3A_840, %and3A_852 : vector<16xi1>
      %add3A_854 = arith.constant 9 : i32
      %add3A_855 = vector.broadcast %add3A_854 : i32 to vector<16xi32>
      %add3A_856 = arith.addi %add3A_746, %add3A_855 : vector<16xi32>
      %and3A_857 = arith.constant 31 : i32
      %and3A_858 = vector.broadcast %and3A_857 : i32 to vector<16xi32>
      %and3A_859 = arith.andi %add3A_856, %and3A_858 : vector<16xi32>
      %gather3A_860 = tpu.vector_load_idx %arg9[%and3A_859] : memref<32xi32, #tpu.memory_space<vmem>>[vector<16xi32>], vector<16xi32>,
      %eq3A_861 = arith.cmpi eq, %get3A_743, %gather3A_860 : vector<16xi32>
      %lt3A_862 = arith.constant 32 : i32
      %lt3A_863 = vector.broadcast %lt3A_862 : i32 to vector<16xi32>
      %lt3A_864 = arith.cmpi slt, %add3A_856, %lt3A_863 : vector<16xi32>
      %and3A_865 = arith.andi %eq3A_861, %lt3A_864 : vector<16xi1>
      %or3A_866 = arith.ori %or3A_853, %and3A_865 : vector<16xi1>
      %add3A_867 = arith.constant 10 : i32
      %add3A_868 = vector.broadcast %add3A_867 : i32 to vector<16xi32>
      %add3A_869 = arith.addi %add3A_746, %add3A_868 : vector<16xi32>
      %and3A_870 = arith.constant 31 : i32
      %and3A_871 = vector.broadcast %and3A_870 : i32 to vector<16xi32>
      %and3A_872 = arith.andi %add3A_869, %and3A_871 : vector<16xi32>
      %gather3A_873 = tpu.vector_load_idx %arg9[%and3A_872] : memref<32xi32, #tpu.memory_space<vmem>>[vector<16xi32>], vector<16xi32>,
      %eq3A_874 = arith.cmpi eq, %get3A_743, %gather3A_873 : vector<16xi32>
      %lt3A_875 = arith.constant 32 : i32
      %lt3A_876 = vector.broadcast %lt3A_875 : i32 to vector<16xi32>
      %lt3A_877 = arith.cmpi slt, %add3A_869, %lt3A_876 : vector<16xi32>
      %and3A_878 = arith.andi %eq3A_874, %lt3A_877 : vector<16xi1>
      %or3A_879 = arith.ori %or3A_866, %and3A_878 : vector<16xi1>
      %add3A_880 = arith.constant 11 : i32
      %add3A_881 = vector.broadcast %add3A_880 : i32 to vector<16xi32>
      %add3A_882 = arith.addi %add3A_746, %add3A_881 : vector<16xi32>
      %and3A_883 = arith.constant 31 : i32
      %and3A_884 = vector.broadcast %and3A_883 : i32 to vector<16xi32>
      %and3A_885 = arith.andi %add3A_882, %and3A_884 : vector<16xi32>
      %gather3A_886 = tpu.vector_load_idx %arg9[%and3A_885] : memref<32xi32, #tpu.memory_space<vmem>>[vector<16xi32>], vector<16xi32>,
      %eq3A_887 = arith.cmpi eq, %get3A_743, %gather3A_886 : vector<16xi32>
      %lt3A_888 = arith.constant 32 : i32
      %lt3A_889 = vector.broadcast %lt3A_888 : i32 to vector<16xi32>
      %lt3A_890 = arith.cmpi slt, %add3A_882, %lt3A_889 : vector<16xi32>
      %and3A_891 = arith.andi %eq3A_887, %lt3A_890 : vector<16xi1>
      %or3A_892 = arith.ori %or3A_879, %and3A_891 : vector<16xi1>
      %add3A_893 = arith.constant 12 : i32
      %add3A_894 = vector.broadcast %add3A_893 : i32 to vector<16xi32>
      %add3A_895 = arith.addi %add3A_746, %add3A_894 : vector<16xi32>
      %and3A_896 = arith.constant 31 : i32
      %and3A_897 = vector.broadcast %and3A_896 : i32 to vector<16xi32>
      %and3A_898 = arith.andi %add3A_895, %and3A_897 : vector<16xi32>
      %gather3A_899 = tpu.vector_load_idx %arg9[%and3A_898] : memref<32xi32, #tpu.memory_space<vmem>>[vector<16xi32>], vector<16xi32>,
      %eq3A_900 = arith.cmpi eq, %get3A_743, %gather3A_899 : vector<16xi32>
      %lt3A_901 = arith.constant 32 : i32
      %lt3A_902 = vector.broadcast %lt3A_901 : i32 to vector<16xi32>
      %lt3A_903 = arith.cmpi slt, %add3A_895, %lt3A_902 : vector<16xi32>
      %and3A_904 = arith.andi %eq3A_900, %lt3A_903 : vector<16xi1>
      %or3A_905 = arith.ori %or3A_892, %and3A_904 : vector<16xi1>
      %add3A_906 = arith.constant 13 : i32
      %add3A_907 = vector.broadcast %add3A_906 : i32 to vector<16xi32>
      %add3A_908 = arith.addi %add3A_746, %add3A_907 : vector<16xi32>
      %and3A_909 = arith.constant 31 : i32
      %and3A_910 = vector.broadcast %and3A_909 : i32 to vector<16xi32>
      %and3A_911 = arith.andi %add3A_908, %and3A_910 : vector<16xi32>
      %gather3A_912 = tpu.vector_load_idx %arg9[%and3A_911] : memref<32xi32, #tpu.memory_space<vmem>>[vector<16xi32>], vector<16xi32>,
      %eq3A_913 = arith.cmpi eq, %get3A_743, %gather3A_912 : vector<16xi32>
      %lt3A_914 = arith.constant 32 : i32
      %lt3A_915 = vector.broadcast %lt3A_914 : i32 to vector<16xi32>
      %lt3A_916 = arith.cmpi slt, %add3A_908, %lt3A_915 : vector<16xi32>
      %and3A_917 = arith.andi %eq3A_913, %lt3A_916 : vector<16xi1>
      %or3A_918 = arith.ori %or3A_905, %and3A_917 : vector<16xi1>
      %add3A_919 = arith.constant 14 : i32
      %add3A_920 = vector.broadcast %add3A_919 : i32 to vector<16xi32>
      %add3A_921 = arith.addi %add3A_746, %add3A_920 : vector<16xi32>
      %and3A_922 = arith.constant 31 : i32
      %and3A_923 = vector.broadcast %and3A_922 : i32 to vector<16xi32>
      %and3A_924 = arith.andi %add3A_921, %and3A_923 : vector<16xi32>
      %gather3A_925 = tpu.vector_load_idx %arg9[%and3A_924] : memref<32xi32, #tpu.memory_space<vmem>>[vector<16xi32>], vector<16xi32>,
      %eq3A_926 = arith.cmpi eq, %get3A_743, %gather3A_925 : vector<16xi32>
      %lt3A_927 = arith.constant 32 : i32
      %lt3A_928 = vector.broadcast %lt3A_927 : i32 to vector<16xi32>
      %lt3A_929 = arith.cmpi slt, %add3A_921, %lt3A_928 : vector<16xi32>
      %and3A_930 = arith.andi %eq3A_926, %lt3A_929 : vector<16xi1>
      %or3A_931 = arith.ori %or3A_918, %and3A_930 : vector<16xi1>
      %add3A_932 = arith.constant 15 : i32
      %add3A_933 = vector.broadcast %add3A_932 : i32 to vector<16xi32>
      %add3A_934 = arith.addi %add3A_746, %add3A_933 : vector<16xi32>
      %and3A_935 = arith.constant 31 : i32
      %and3A_936 = vector.broadcast %and3A_935 : i32 to vector<16xi32>
      %and3A_937 = arith.andi %add3A_934, %and3A_936 : vector<16xi32>
      %gather3A_938 = tpu.vector_load_idx %arg9[%and3A_937] : memref<32xi32, #tpu.memory_space<vmem>>[vector<16xi32>], vector<16xi32>,
      %eq3A_939 = arith.cmpi eq, %get3A_743, %gather3A_938 : vector<16xi32>
      %lt3A_940 = arith.constant 32 : i32
      %lt3A_941 = vector.broadcast %lt3A_940 : i32 to vector<16xi32>
      %lt3A_942 = arith.cmpi slt, %add3A_934, %lt3A_941 : vector<16xi32>
      %and3A_943 = arith.andi %eq3A_939, %lt3A_942 : vector<16xi1>
      %or3A_944 = arith.ori %or3A_931, %and3A_943 : vector<16xi1>
      %ge3A_945 = arith.constant 0 : i32
      %ge3A_946 = vector.broadcast %ge3A_945 : i32 to vector<16xi32>
      %ge3A_947 = arith.cmpi sge, %get3A_743, %ge3A_946 : vector<16xi32>
      %not3A_948 = arith.constant dense<true> : vector<16xi1>
      %not3A_949 = arith.xori %or3A_944, %not3A_948 : vector<16xi1>
      %and3A_950 = arith.andi %ge3A_947, %not3A_949 : vector<16xi1>
      %jit3A_951 = arith.constant 1.000000e+00 : f32
      %jit3A_952 = arith.constant 0.000000e+00 : f32
      %broadcast_in_dim3A_953 = vector.broadcast %jit3A_951 : f32 to vector<16xf32>
      %broadcast_in_dim3A_954 = vector.broadcast %jit3A_952 : f32 to vector<16xf32>
      %select_n3A_955 = arith.select %and3A_950, %broadcast_in_dim3A_953, %broadcast_in_dim3A_954 : vector<16xi1>, vector<16xf32>
      %reduce_sum3A_956 = arith.constant true
      %reduce_sum3A_957 = vector.broadcast %reduce_sum3A_956 : i1 to vector<16xi1>
      %reduce_sum3A_958 = tpu.scan <sum>, %select_n3A_955 masked %reduce_sum3A_957 : vector<16xf32>, vector<16xi1> -> vector<16xf32>
      %reduce_sum3A_959 = vector.extract %reduce_sum3A_958[15] : f32 from vector<16xf32>
      %add3A_960 = arith.addf %add3A_629, %reduce_sum3A_959 : f32
      %get3A_961 = arith.constant 16 : index
      %get3A_962 = tpu.vector_load %arg13[%get3A_961] {strides = array<i32>} : memref<64xf32, #tpu.memory_space<vmem>>, vector<16xf32>,
      %get3A_963 = arith.constant 48 : index
      %get3A_964 = tpu.vector_load %arg13[%get3A_963] {strides = array<i32>} : memref<64xf32, #tpu.memory_space<vmem>>, vector<16xf32>,
      %sub3A_965 = arith.subf %get3A_962, %get3A_964 : vector<16xf32>
      %mul3A_966 = arith.mulf %select_n3A_955, %sub3A_965 : vector<16xf32>
      %reduce_sum3A_967 = arith.constant true
      %reduce_sum3A_968 = vector.broadcast %reduce_sum3A_967 : i1 to vector<16xi1>
      %reduce_sum3A_969 = tpu.scan <sum>, %mul3A_966 masked %reduce_sum3A_968 : vector<16xf32>, vector<16xi1> -> vector<16xf32>
      %reduce_sum3A_970 = vector.extract %reduce_sum3A_969[15] : f32 from vector<16xf32>
      %add3A_971 = arith.addf %add3A_641, %reduce_sum3A_970 : f32
      %get3A_972 = arith.constant 16 : index
      %get3A_973 = tpu.vector_load %arg14[%get3A_972] {strides = array<i32>} : memref<128xf32, #tpu.memory_space<vmem>>, vector<16xf32>,
      %get3A_974 = arith.constant 0 : i32
      %get3A_975 = arith.index_cast %get3A_974 : i32 to index
      %get3A_976 = arith.constant 16 : index
      %get3A_977 = tpu.vector_load %arg7[%get3A_975, %get3A_976] {strides = array<i32>} : memref<4x32xf32, #tpu.memory_space<vmem>>, vector<16xf32>,
      %sub3A_978 = arith.subf %get3A_973, %get3A_977 : vector<16xf32>
      %abs3A_979 = math.absf %sub3A_978 : vector<16xf32>
      %lt3A_980 = arith.constant 1.000000e+00 : f32
      %lt3A_981 = vector.broadcast %lt3A_980 : f32 to vector<16xf32>
      %lt3A_982 = arith.cmpf olt, %abs3A_979, %lt3A_981 : vector<16xf32>
      %mul3A_983 = arith.constant 5.000000e-01 : f32
      %mul3A_984 = vector.broadcast %mul3A_983 : f32 to vector<16xf32>
      %mul3A_985 = arith.mulf %mul3A_984, %sub3A_978 : vector<16xf32>
      %mul3A_986 = arith.mulf %mul3A_985, %sub3A_978 : vector<16xf32>
      %sub3A_987 = arith.constant 5.000000e-01 : f32
      %sub3A_988 = vector.broadcast %sub3A_987 : f32 to vector<16xf32>
      %sub3A_989 = arith.subf %abs3A_979, %sub3A_988 : vector<16xf32>
      %select_n3A_990 = arith.select %lt3A_982, %mul3A_986, %sub3A_989 : vector<16xi1>, vector<16xf32>
      %mul3A_991 = arith.mulf %select_n3A_955, %select_n3A_990 : vector<16xf32>
      %reduce_sum3A_992 = arith.constant true
      %reduce_sum3A_993 = vector.broadcast %reduce_sum3A_992 : i1 to vector<16xi1>
      %reduce_sum3A_994 = tpu.scan <sum>, %mul3A_991 masked %reduce_sum3A_993 : vector<16xf32>, vector<16xi1> -> vector<16xf32>
      %reduce_sum3A_995 = vector.extract %reduce_sum3A_994[15] : f32 from vector<16xf32>
      %add3A_996 = arith.addf %add3A_741, %reduce_sum3A_995 : f32
      %get3A_997 = arith.constant 48 : index
      %get3A_998 = tpu.vector_load %arg14[%get3A_997] {strides = array<i32>} : memref<128xf32, #tpu.memory_space<vmem>>, vector<16xf32>,
      %get3A_999 = arith.constant 1 : i32
      %get3A_1000 = arith.index_cast %get3A_999 : i32 to index
      %get3A_1001 = arith.constant 16 : index
      %get3A_1002 = tpu.vector_load %arg7[%get3A_1000, %get3A_1001] {strides = array<i32>} : memref<4x32xf32, #tpu.memory_space<vmem>>, vector<16xf32>,
      %sub3A_1003 = arith.subf %get3A_998, %get3A_1002 : vector<16xf32>
      %abs3A_1004 = math.absf %sub3A_1003 : vector<16xf32>
      %lt3A_1005 = arith.constant 1.000000e+00 : f32
      %lt3A_1006 = vector.broadcast %lt3A_1005 : f32 to vector<16xf32>
      %lt3A_1007 = arith.cmpf olt, %abs3A_1004, %lt3A_1006 : vector<16xf32>
      %mul3A_1008 = arith.constant 5.000000e-01 : f32
      %mul3A_1009 = vector.broadcast %mul3A_1008 : f32 to vector<16xf32>
      %mul3A_1010 = arith.mulf %mul3A_1009, %sub3A_1003 : vector<16xf32>
      %mul3A_1011 = arith.mulf %mul3A_1010, %sub3A_1003 : vector<16xf32>
      %sub3A_1012 = arith.constant 5.000000e-01 : f32
      %sub3A_1013 = vector.broadcast %sub3A_1012 : f32 to vector<16xf32>
      %sub3A_1014 = arith.subf %abs3A_1004, %sub3A_1013 : vector<16xf32>
      %select_n3A_1015 = arith.select %lt3A_1007, %mul3A_1011, %sub3A_1014 : vector<16xi1>, vector<16xf32>
      %mul3A_1016 = arith.mulf %select_n3A_955, %select_n3A_1015 : vector<16xf32>
      %reduce_sum3A_1017 = arith.constant true
      %reduce_sum3A_1018 = vector.broadcast %reduce_sum3A_1017 : i1 to vector<16xi1>
      %reduce_sum3A_1019 = tpu.scan <sum>, %mul3A_1016 masked %reduce_sum3A_1018 : vector<16xf32>, vector<16xi1> -> vector<16xf32>
      %reduce_sum3A_1020 = vector.extract %reduce_sum3A_1019[15] : f32 from vector<16xf32>
      %add3A_1021 = arith.addf %add3A_996, %reduce_sum3A_1020 : f32
      %get3A_1022 = arith.constant 80 : index
      %get3A_1023 = tpu.vector_load %arg14[%get3A_1022] {strides = array<i32>} : memref<128xf32, #tpu.memory_space<vmem>>, vector<16xf32>,
      %get3A_1024 = arith.constant 2 : i32
      %get3A_1025 = arith.index_cast %get3A_1024 : i32 to index
      %get3A_1026 = arith.constant 16 : index
      %get3A_1027 = tpu.vector_load %arg7[%get3A_1025, %get3A_1026] {strides = array<i32>} : memref<4x32xf32, #tpu.memory_space<vmem>>, vector<16xf32>,
      %sub3A_1028 = arith.subf %get3A_1023, %get3A_1027 : vector<16xf32>
      %abs3A_1029 = math.absf %sub3A_1028 : vector<16xf32>
      %lt3A_1030 = arith.constant 1.000000e+00 : f32
      %lt3A_1031 = vector.broadcast %lt3A_1030 : f32 to vector<16xf32>
      %lt3A_1032 = arith.cmpf olt, %abs3A_1029, %lt3A_1031 : vector<16xf32>
      %mul3A_1033 = arith.constant 5.000000e-01 : f32
      %mul3A_1034 = vector.broadcast %mul3A_1033 : f32 to vector<16xf32>
      %mul3A_1035 = arith.mulf %mul3A_1034, %sub3A_1028 : vector<16xf32>
      %mul3A_1036 = arith.mulf %mul3A_1035, %sub3A_1028 : vector<16xf32>
      %sub3A_1037 = arith.constant 5.000000e-01 : f32
      %sub3A_1038 = vector.broadcast %sub3A_1037 : f32 to vector<16xf32>
      %sub3A_1039 = arith.subf %abs3A_1029, %sub3A_1038 : vector<16xf32>
      %select_n3A_1040 = arith.select %lt3A_1032, %mul3A_1036, %sub3A_1039 : vector<16xi1>, vector<16xf32>
      %mul3A_1041 = arith.mulf %select_n3A_955, %select_n3A_1040 : vector<16xf32>
      %reduce_sum3A_1042 = arith.constant true
      %reduce_sum3A_1043 = vector.broadcast %reduce_sum3A_1042 : i1 to vector<16xi1>
      %reduce_sum3A_1044 = tpu.scan <sum>, %mul3A_1041 masked %reduce_sum3A_1043 : vector<16xf32>, vector<16xi1> -> vector<16xf32>
      %reduce_sum3A_1045 = vector.extract %reduce_sum3A_1044[15] : f32 from vector<16xf32>
      %add3A_1046 = arith.addf %add3A_1021, %reduce_sum3A_1045 : f32
      %get3A_1047 = arith.constant 112 : index
      %get3A_1048 = tpu.vector_load %arg14[%get3A_1047] {strides = array<i32>} : memref<128xf32, #tpu.memory_space<vmem>>, vector<16xf32>,
      %get3A_1049 = arith.constant 3 : i32
      %get3A_1050 = arith.index_cast %get3A_1049 : i32 to index
      %get3A_1051 = arith.constant 16 : index
      %get3A_1052 = tpu.vector_load %arg7[%get3A_1050, %get3A_1051] {strides = array<i32>} : memref<4x32xf32, #tpu.memory_space<vmem>>, vector<16xf32>,
      %sub3A_1053 = arith.subf %get3A_1048, %get3A_1052 : vector<16xf32>
      %abs3A_1054 = math.absf %sub3A_1053 : vector<16xf32>
      %lt3A_1055 = arith.constant 1.000000e+00 : f32
      %lt3A_1056 = vector.broadcast %lt3A_1055 : f32 to vector<16xf32>
      %lt3A_1057 = arith.cmpf olt, %abs3A_1054, %lt3A_1056 : vector<16xf32>
      %mul3A_1058 = arith.constant 5.000000e-01 : f32
      %mul3A_1059 = vector.broadcast %mul3A_1058 : f32 to vector<16xf32>
      %mul3A_1060 = arith.mulf %mul3A_1059, %sub3A_1053 : vector<16xf32>
      %mul3A_1061 = arith.mulf %mul3A_1060, %sub3A_1053 : vector<16xf32>
      %sub3A_1062 = arith.constant 5.000000e-01 : f32
      %sub3A_1063 = vector.broadcast %sub3A_1062 : f32 to vector<16xf32>
      %sub3A_1064 = arith.subf %abs3A_1054, %sub3A_1063 : vector<16xf32>
      %select_n3A_1065 = arith.select %lt3A_1057, %mul3A_1061, %sub3A_1064 : vector<16xi1>, vector<16xf32>
      %mul3A_1066 = arith.mulf %select_n3A_955, %select_n3A_1065 : vector<16xf32>
      %reduce_sum3A_1067 = arith.constant true
      %reduce_sum3A_1068 = vector.broadcast %reduce_sum3A_1067 : i1 to vector<16xi1>
      %reduce_sum3A_1069 = tpu.scan <sum>, %mul3A_1066 masked %reduce_sum3A_1068 : vector<16xf32>, vector<16xi1> -> vector<16xf32>
      %reduce_sum3A_1070 = vector.extract %reduce_sum3A_1069[15] : f32 from vector<16xf32>
      %add3A_1071 = arith.addf %add3A_1046, %reduce_sum3A_1070 : f32
      %eq3A_1072 = arith.constant 0 : i32
      %eq3A_1073 = vector.broadcast %eq3A_1072 : i32 to vector<16xi32>
      %eq3A_1074 = arith.cmpi eq, %iota3A, %eq3A_1073 : vector<16xi32>
      %eq3A_1075 = arith.constant 1 : i32
      %eq3A_1076 = vector.broadcast %eq3A_1075 : i32 to vector<16xi32>
      %eq3A_1077 = arith.cmpi eq, %iota3A, %eq3A_1076 : vector<16xi32>
      %eq3A_1078 = arith.constant 2 : i32
      %eq3A_1079 = vector.broadcast %eq3A_1078 : i32 to vector<16xi32>
      %eq3A_1080 = arith.cmpi eq, %iota3A, %eq3A_1079 : vector<16xi32>
      %jit3A_1081 = arith.constant 0.000000e+00 : f32
      %broadcast_in_dim3A_1082 = vector.broadcast %add3A_960 : f32 to vector<16xf32>
      %broadcast_in_dim3A_1083 = vector.broadcast %jit3A_1081 : f32 to vector<16xf32>
      %select_n3A_1084 = arith.select %eq3A_1080, %broadcast_in_dim3A_1082, %broadcast_in_dim3A_1083 : vector<16xi1>, vector<16xf32>
      %broadcast_in_dim3A_1085 = vector.broadcast %add3A_1071 : f32 to vector<16xf32>
      %select_n3A_1086 = arith.select %eq3A_1077, %broadcast_in_dim3A_1085, %select_n3A_1084 : vector<16xi1>, vector<16xf32>
      %broadcast_in_dim3A_1087 = vector.broadcast %add3A_971 : f32 to vector<16xf32>
      %select_n3A_1088 = arith.select %eq3A_1074, %broadcast_in_dim3A_1087, %select_n3A_1086 : vector<16xi1>, vector<16xf32>
      %swap3A_1089 = arith.constant 0 : index
      %swap3A_1090 = tpu.vector_load %arg15[%swap3A_1089] {strides = array<i32>} : memref<16xf32, #tpu.memory_space<vmem>>, vector<16xf32>,
      tpu.vector_store %arg15[%swap3A_1089], %select_n3A_1088 {strides = array<i32>} : memref<16xf32, #tpu.memory_space<vmem>>, vector<16xf32>,
      "tpu.region"() ({
        %run_scoped3A = tpu.sem_alloc : memref<!tpu.dma_semaphore, #tpu.memory_space<semaphore_mem>>
        %dma_start3A_1091 = arith.constant 0 : i32
        %dma_start3A_1092 = tpu.memref_slice %arg6[%add3A, %dma_start3A_1091] : memref<16x16xf32, #tpu.memory_space<hbm>> -> memref<1x16xf32, #tpu.memory_space<hbm>>
        %dma_start3A_1093 = tpu.memref_squeeze %dma_start3A_1092 : memref<1x16xf32, #tpu.memory_space<hbm>> -> memref<16xf32, #tpu.memory_space<hbm>>
        %dma_start3A_1094 = arith.constant 0 : i32
        %dma_start3A_1095 = tpu.memref_slice %arg6[%add3A, %dma_start3A_1094] : memref<16x16xf32, #tpu.memory_space<hbm>> -> memref<1x16xf32, #tpu.memory_space<hbm>>
        %dma_start3A_1096 = tpu.memref_squeeze %dma_start3A_1095 : memref<1x16xf32, #tpu.memory_space<hbm>> -> memref<16xf32, #tpu.memory_space<hbm>>
        tpu.enqueue_dma source(%arg15 : memref<16xf32, #tpu.memory_space<vmem>>) target(%dma_start3A_1096 : memref<16xf32, #tpu.memory_space<hbm>>) target_semaphore(%run_scoped3A : memref<!tpu.dma_semaphore, #tpu.memory_space<semaphore_mem>>)
        %dma_wait3A_1097 = arith.constant 0 : i32
        %dma_wait3A_1098 = tpu.memref_slice %arg6[%add3A, %dma_wait3A_1097] : memref<16x16xf32, #tpu.memory_space<hbm>> -> memref<1x16xf32, #tpu.memory_space<hbm>>
        %dma_wait3A_1099 = tpu.memref_squeeze %dma_wait3A_1098 : memref<1x16xf32, #tpu.memory_space<hbm>> -> memref<16xf32, #tpu.memory_space<hbm>>
        %dma_wait3A_1100 = arith.constant 0 : i32
        %dma_wait3A_1101 = tpu.memref_slice %arg6[%add3A, %dma_wait3A_1100] : memref<16x16xf32, #tpu.memory_space<hbm>> -> memref<1x16xf32, #tpu.memory_space<hbm>>
        %dma_wait3A_1102 = tpu.memref_squeeze %dma_wait3A_1101 : memref<1x16xf32, #tpu.memory_space<hbm>> -> memref<16xf32, #tpu.memory_space<hbm>>
        tpu.wait_dma2 semaphore(%run_scoped3A : memref<!tpu.dma_semaphore, #tpu.memory_space<semaphore_mem>>) src(%arg15 : memref<16xf32, #tpu.memory_space<vmem>>) dst(%dma_wait3A_1102 : memref<16xf32, #tpu.memory_space<hbm>>)
        tpu.yield
      }) : () -> ()
    } else {
    }
    return
  }
}

module attributes {stable_mosaic.version = 14 : i64} {
  func.func @_dense_kernel(%arg0: memref<16x81x1024xf32, #tpu.memory_space<vmem>>, %arg1: memref<1x1xf32, #tpu.memory_space<vmem>>, %arg2: memref<1x1xf32, #tpu.memory_space<vmem>>) attributes {dimension_semantics = [], scalar_prefetch = 0 : i64, scratch_operands = 0 : i64, tpu.core_type = #tpu.core_type<tc>} {
    %get3A = arith.constant 0 : index
    %get3A_0 = arith.constant 0 : index
    %get3A_1 = arith.constant 0 : index
    %get3A_2 = vector.load %arg0[%get3A, %get3A_0, %get3A_1] : memref<16x81x1024xf32, #tpu.memory_space<vmem>>, vector<16x81x1024xf32>
    %reduce_max3A = arith.constant dense<0xFF800000> : vector<16x1024xf32>
    %reduce_max3A_3 = vector.multi_reduction <maximumf>, %get3A_2, %reduce_max3A [1] : vector<16x81x1024xf32> to vector<16x1024xf32>
    %broadcast_in_dim3A = vector.shape_cast %reduce_max3A_3 : vector<16x1024xf32> to vector<16x1x1024xf32>
    %sub3A = vector.broadcast %broadcast_in_dim3A : vector<16x1x1024xf32> to vector<16x81x1024xf32>
    %sub3A_4 = arith.subf %get3A_2, %sub3A : vector<16x81x1024xf32>
    %exp3A = math.exp %sub3A_4 : vector<16x81x1024xf32>
    %reduce_sum3A = arith.constant dense<0.000000e+00> : vector<16x1024xf32>
    %reduce_sum3A_5 = vector.multi_reduction <add>, %exp3A, %reduce_sum3A [1] : vector<16x81x1024xf32> to vector<16x1024xf32>
    %broadcast_in_dim3A_6 = vector.shape_cast %reduce_sum3A_5 : vector<16x1024xf32> to vector<16x1x1024xf32>
    %log3A = math.log %broadcast_in_dim3A_6 : vector<16x1x1024xf32>
    %add3A = arith.addf %broadcast_in_dim3A, %log3A : vector<16x1x1024xf32>
    %reduce_sum3A_7 = vector.shape_cast %add3A : vector<16x1x1024xf32> to vector<1x16x1x1024xf32>
    %reduce_sum3A_8 = arith.constant dense<0.000000e+00> : vector<1xf32>
    %reduce_sum3A_9 = vector.multi_reduction <add>, %reduce_sum3A_7, %reduce_sum3A_8 [1, 2, 3] : vector<1x16x1x1024xf32> to vector<1xf32>
    %reduce_sum3A_10 = vector.shape_cast %reduce_sum3A_9 : vector<1xf32> to vector<1x1x1x1xf32>
    %reduce_sum3A_11 = vector.extract %reduce_sum3A_10[0, 0, 0, 0] : f32 from vector<1x1x1x1xf32>
    %slice3A = vector.extract_strided_slice %get3A_2 {offsets = [0, 80, 0], sizes = [16, 1, 1024], strides = [1, 1, 1]} : vector<16x81x1024xf32> to vector<16x1x1024xf32>
    %reduce_sum3A_12 = vector.shape_cast %slice3A : vector<16x1x1024xf32> to vector<1x16x1x1024xf32>
    %reduce_sum3A_13 = arith.constant dense<0.000000e+00> : vector<1xf32>
    %reduce_sum3A_14 = vector.multi_reduction <add>, %reduce_sum3A_12, %reduce_sum3A_13 [1, 2, 3] : vector<1x16x1x1024xf32> to vector<1xf32>
    %reduce_sum3A_15 = vector.shape_cast %reduce_sum3A_14 : vector<1xf32> to vector<1x1x1x1xf32>
    %reduce_sum3A_16 = vector.extract %reduce_sum3A_15[0, 0, 0, 0] : f32 from vector<1x1x1x1xf32>
    %broadcast_in_dim3A_17 = vector.broadcast %reduce_sum3A_11 : f32 to vector<1x1xf32>
    %swap3A = arith.constant 0 : index
    %swap3A_18 = arith.constant 0 : index
    %swap3A_19 = vector.load %arg1[%swap3A, %swap3A_18] : memref<1x1xf32, #tpu.memory_space<vmem>>, vector<1x1xf32>
    tpu.vector_store %arg1[%swap3A, %swap3A_18], %broadcast_in_dim3A_17 {strides = array<i32>} : memref<1x1xf32, #tpu.memory_space<vmem>>, vector<1x1xf32>,
    %broadcast_in_dim3A_20 = vector.broadcast %reduce_sum3A_16 : f32 to vector<1x1xf32>
    %swap3A_21 = arith.constant 0 : index
    %swap3A_22 = arith.constant 0 : index
    %swap3A_23 = vector.load %arg2[%swap3A_21, %swap3A_22] : memref<1x1xf32, #tpu.memory_space<vmem>>, vector<1x1xf32>
    tpu.vector_store %arg2[%swap3A_21, %swap3A_22], %broadcast_in_dim3A_20 {strides = array<i32>} : memref<1x1xf32, #tpu.memory_space<vmem>>, vector<1x1xf32>,
    return
  }
}

</mosaic_0001>

<sc_bundles>
// kernel: kernel.4.cloned.1.call-start
scs
__scs_entry_jumppad:
0x0: {  	(pc) =	sbr.rel $0x88, $3  }
0x1: {  	(tag) =	ssettag $0x0;
	lr =	simm.s32 $0x1  }
0x2: {  	[smem:$0x3F9D] =	sst lr;
	_ =	strace $0xD0000000  }
0x3: {  	_ = 	snop  }
0x4: {  	_ = 	snop  }
0x5: {  	_ = 	snop  }
0x6: {  	_ = 	snop  }
0x7: {  	_ = 	snop  }
__scs_overlays_trampoline_lowered:
0x8: {  	[smem:$0x3FAC] =	sst s0  }
0x9: {  	[smem:$0x3FAD] =	sst s1  }
0xa: {  	[smem:$0x3FAE] =	sst s2  }
0xb: {  	[smem:$0x3FAF] =	sst s3  }
0xc: {  	[smem:$0x3FB0] =	sst s4  }
0xd: {  	[smem:$0x3FB1] =	sst s5  }
0xe: {  	[smem:$0x3FB2] =	sst s6  }
0xf: {  	[smem:$0x3FB3] =	sst s7  }
0x10: {  	[smem:$0x3FB4] =	sst s8  }
0x11: {  	[smem:$0x3FB5] =	sst s9;
	s0 =	simm.s32 @!p0 $0x0  }
0x12: {  	s1 =	sld [smem:$0x3F9B];
	s0 =	simm.s32 @p0 $0x1  }
0x13: {  	[smem:$0x3FB6] =	sst s0;
	s0 =	simm.s32 @!p1 $0x0  }
0x14: {  	s2 =	sld [smem:$0x3F9A];
	s0 =	simm.s32 @p1 $0x1  }
0x15: {  	[smem:$0x3FB7] =	sst s0;
	s0 =	simm.s32 @!p2 $0x0  }
0x16: {  	s3 =	sld [smem:$0x3FDB];
	s0 =	simm.s32 @p2 $0x1  }
0x17: {  	s4 =	simm.s32 $0x1BF5;
	[smem:$0x3FB9] =	sst s0  }
0x18: {  	s0 =	sld [smem:$0x3F9C];
	_ =	swait.ge [sflag:s4], $0x0  }
0x19: {  	s7 =	sld [smem:$0x3F9D]  }
0x1a: {  	s8 =	sadd.s32 $0xFFFFE003, lr  }
0x1b: {  	s9 =	sadd.s32 $0xFFFFFEF7, lr;
	s5 =	simm.s32 $0xFFFFFFFF;
	p2 =	slt.u32 s8, $0xFFFFF086  }
0x1c: {  	p1 =	slt.u32 s9, $0xF7A;
	s5 =	simm.s32 @!p2 $0x0  }
0x1d: {  	s5 =	simm.s32 @p1 $0x1;
	p0 =	seq.s32 s7, s2  }
0x1e: {  	s7 =	smul.u32 @!p0 $0xF7A, s2;
	p2 =	seq.s32 @!p0 s5, $0x0  }
0x1f: {  	s9 =	smul.u32 $0xF7A, s1;
	s8 =	simm.s32 @!p0 $0x1BF5;
	p2 =	por !p2, p0  }
0x20: {  	[sflag:s8] =	ssyncset.s32 @!p0 $0xFFFFF086;
	s6 =	sadd.s32 @!p0 s3, s7;
	s7 =	simm.s32 @!p0 $0x108  }
0x21: {  	s3 =	sadd.s32 s3, s9;
	s6 =	sadd.s32 @!p0 $0x88, s6;
	s7 =	simm.s32 @p2 $0x1082  }
0x22: {  	[simem:s7], [sflag:s8] =	dma.local @!p0 [hbm:s6], $0xF7A  }
0x23: {  	s9 =	sor.u32 $0xD0000000, s2;
	s6 =	simm.s32 $0x108;
	_ =	swait.ge @!p0 [sflag:s8], $0x0  }
0x24: {  	s3 =	sadd.s32 $0x88, s3;
	s6 =	simm.s32 @!p1 $0x1082;
	[sflag:s4] =	ssyncset.s32 $0xFFFFF086  }
0x25: {  	[simem:s6], [sflag:s4] =	dma.local [hbm:s3], $0xF7A  }
0x26: {  	[smem:$0x3F9D] =	sst s1;
	(tag) =	ssettag s2;
	_ =	strace s9  }
0x27: {  	s1 =	sld [smem:$0x3FAD]  }
0x28: {  	s2 =	sld [smem:$0x3FAE]  }
0x29: {  	s4 =	sld [smem:$0x3FB0]  }
0x2a: {  	p0 =	seq.s32 s5, $0x0;
	s5 =	sld [smem:$0x3FB1]  }
0x2b: {  	s6 =	sld [smem:$0x3FB2]  }
0x2c: {  	s7 =	sld [smem:$0x3FB3]  }
0x2d: {  	s3 =	simm.s32 $0x108;
	s8 =	sld [smem:$0x3FB4]  }
0x2e: {  	s3 =	simm.s32 @!p0 $0x1082;
	s9 =	sld [smem:$0x3FB5]  }
0x2f: {  	lr =	sadd.s32 s0, s3;
	s0 =	sld [smem:$0x3FAC]  }
0x30: {  	s3 =	sld [smem:$0x3FAF]  }
0x31: {  	[smem:$0x3FB8] =	sst s10  }
0x32: {  	s10 =	sld [smem:$0x3FB6];
	_ =	sdelay $0x3  }
0x33: {  	p0 =	seq.s32 s10, $0x1;
	s10 =	sld [smem:$0x3FB8];
	_ =	sdelay $0x3  }
0x34: {  	[smem:$0x3FB8] =	sst s10  }
0x35: {  	s10 =	sld [smem:$0x3FB7];
	_ =	sdelay $0x3  }
0x36: {  	p1 =	seq.s32 s10, $0x1;
	s10 =	sld [smem:$0x3FB8];
	_ =	sdelay $0x3  }
0x37: {  	[smem:$0x3FB8] =	sst s10  }
0x38: {  	s10 =	sld [smem:$0x3FB9]  }
0x39: {  	_ = 	snop;
	(pc) =	sbr.ind lr, $3  }
0x3a: {  	_ = 	snop  }
0x3b: {  	_ = 	snop  }
0x3c: {  	p2 =	seq.s32 s10, $0x1;
	s10 =	sld [smem:$0x3FB8]  }
0x3d: {  	_ =	shalt  }
0x3e: {  	_ =	shalt  }
0x3f: {  	_ =	shalt  }
0x40: {  	_ =	shalt  }
0x41: {  	_ =	shalt  }
0x42: {  	_ =	shalt  }
0x43: {  	_ =	shalt  }
0x44: {  	_ =	shalt  }
0x45: {  	_ =	shalt  }
0x46: {  	_ =	shalt  }
0x47: {  	_ =	shalt  }
0x48: {  	_ =	shalt  }
0x49: {  	_ =	shalt  }
0x4a: {  	_ =	shalt  }
0x4b: {  	_ =	shalt  }
0x4c: {  	_ =	shalt  }
0x4d: {  	_ =	shalt  }
0x4e: {  	_ =	shalt  }
0x4f: {  	_ =	shalt  }
0x50: {  	_ =	shalt  }
0x51: {  	_ =	shalt  }
0x52: {  	_ =	shalt  }
0x53: {  	_ =	shalt  }
0x54: {  	_ =	shalt  }
0x55: {  	_ =	shalt  }
0x56: {  	_ =	shalt  }
0x57: {  	_ =	shalt  }
0x58: {  	_ =	shalt  }
0x59: {  	_ =	shalt  }
0x5a: {  	_ =	shalt  }
0x5b: {  	_ =	shalt  }
0x5c: {  	_ =	shalt  }
0x5d: {  	_ =	shalt  }
0x5e: {  	_ =	shalt  }
0x5f: {  	_ =	shalt  }
0x60: {  	_ =	shalt  }
0x61: {  	_ =	shalt  }
0x62: {  	_ =	shalt  }
0x63: {  	_ =	shalt  }
0x64: {  	_ =	shalt  }
0x65: {  	_ =	shalt  }
0x66: {  	_ =	shalt  }
0x67: {  	_ =	shalt  }
0x68: {  	_ =	shalt  }
0x69: {  	_ =	shalt  }
0x6a: {  	_ =	shalt  }
0x6b: {  	_ =	shalt  }
0x6c: {  	_ =	shalt  }
0x6d: {  	_ =	shalt  }
0x6e: {  	_ =	shalt  }
0x6f: {  	_ =	shalt  }
0x70: {  	_ =	shalt  }
0x71: {  	_ =	shalt  }
0x72: {  	_ =	shalt  }
0x73: {  	_ =	shalt  }
0x74: {  	_ =	shalt  }
0x75: {  	_ =	shalt  }
0x76: {  	_ =	shalt  }
0x77: {  	_ =	shalt  }
0x78: {  	_ =	shalt  }
0x79: {  	_ =	shalt  }
0x7a: {  	_ =	shalt  }
0x7b: {  	_ =	shalt  }
0x7c: {  	_ =	shalt  }
0x7d: {  	_ =	shalt  }
0x7e: {  	_ =	shalt  }
0x7f: {  	_ =	shalt  }
0x80: {  	_ =	shalt  }
0x81: {  	_ =	shalt  }
0x82: {  	_ =	shalt  }
0x83: {  	_ =	shalt  }
0x84: {  	_ =	shalt  }
0x85: {  	_ =	shalt  }
0x86: {  	_ =	shalt  }
0x87: {  	_ =	shalt  }
.Lfunc_end0:
.L_simem_size_0:
called_computation_lowered:
.L_overlay_start_0:
0x88: {  	s0 =	sld [smem:$0x3FD9]  }
0x89: {  	s1 =	sld [smem:$0x3FFE];
	_ =	sdelay $0x3  }
0x8a: {  	s0 =	sadd.s32 s1, s0  }
0x8b: {  	[smem:$0x3FC4] =	sst s0  }
0x8c: {  	_ = 	snop  }
0x8d: {  	s0 =	sld [smem:$0x3FC7]  }
0x8e: {  	s16 =	sld [smem:$0x3FC6];
	(tm) =	ssettm $0x1  }
0x8f: {  	s2 =	sld [smem:$0x3FFB];
	_ =	sdelay $0x3  }
0x90: {  	_ =	strace s2  }
0x91: {  	s2 =	sld [smem:$0x3FFC];
	_ =	sdelay $0x3  }
0x92: {  	_ =	strace s2  }
0x93: {  	s2 =	sld [smem:$0x3FFD];
	_ =	sdelay $0x3  }
0x94: {  	_ =	strace s2  }
0x95: {  	_ =	strace $0x8FFFFFFF  }
0x96: {  	s17 =	sld [smem:$0x3FDB];
	_ =	sdelay $0x1  }
0x97: {  	s3 =	simm.s32 $_scs_section_size  }
0x98: {  	s4 =	simm.s32 $_size__tile_overlayer_lowered;
	s5 =	simm.s32 $_tile_overlayer_lowered  }
0x99: {  	s20 =	simm.s32 $0x1BFF;
	s19 =	sshll.u32 s5, $0x1;
	s2 =	sadd.s32 s3, s17  }
0x9a: {  	s6 =	simm.s32 $0x0;
	s18 =	sshll.u32 s4, $0x1;
	s4 =	sadd.s32 s19, s2  }
0x9b: {  	[timem:s6], [sflag:s20] =	dma.local [hbm:s4], s18  }
0x9c: {  	_ =	swait.ge [sflag:s20], s18  }
0x9d: {  	s3 =	ssub.s32 $0x0, s18;
	[sflag:s20] =	ssyncset.done $0x0  }
0x9e: {  	[sflag:s20] =	ssyncadd.s32 s3;
	_ =	sdelay $0x1  }
0x9f: {  	s21 =	simm.s32 $0x1B8B  }
0xa0: {  	_ =	swait.ge [sflag:s21], $0x1  }
0xa1: {  	[sflag:s21] =	ssyncset.done $0x0  }
0xa2: {  	s23 =	simm.s32 $0x1B8E;
	s22 =	sld [smem:$0x3FFE];
	[sflag:s21] =	ssyncadd.s32 $0xFFFFFFFF  }
0xa3: {  	s24 =	simm.s32 $execute0_lowered;
	[smem:$0x3FD2] =	sst s23  }
0xa4: {  	s4 =	sshll.u32 s24, $0x1;
	_ =	strace $0x80000046;
	[dreg:$0x1] =	wrdreg $0xFFFFFFFF  }
0xa5: {  	s25 =	simm.s32 $_size_execute0_lowered;
	s2 =	sadd.s32 s2, s4;
	[dreg:$0x0] =	wrdreg $0x0  }
0xa6: {  	s4 =	sshll.u32 s25, $0x1;
	[dreg:$0x2] =	wrdreg s2  }
0xa7: {  	[dreg:$0x3] =	wrdreg s4  }
0xa8: {  	[dreg:$0x4] =	wrdreg $0xC0  }
0xa9: {  	_ =	task [dreg:s6], $0x5FFFF  }
0xaa: {  	[dreg:$0x1] =	wrdreg $0xFFFFFFFF  }
0xab: {  	[dreg:$0x0] =	wrdreg $0x60  }
0xac: {  	[dreg:$0x2] =	wrdreg s16  }
0xad: {  	[dreg:$0x3] =	wrdreg s0  }
0xae: {  	[dreg:$0x4] =	wrdreg s22  }
0xaf: {  	[dreg:$0x5] =	wrdreg $0x9  }
0xb0: {  	_ =	task.clear_ibuf [dreg:s6], $0x6FFFF;
	_ =	strace $0x90000046  }
0xb1: {  	s26 =	simm.s32 $0x9;
	_ =	strace $0x80000048  }
0xb2: {  	_ =	swait.ge [sflag:s26], $0x1  }
0xb3: {  	[sflag:s26] =	ssyncadd.s32 $0xFFFFFFFF  }
0xb4: {  	_ =	strace $0x90000048  }
0xb5: {  	_ =	sfence  }
0xb6: {  	s28 =	sld [smem:$0x0];
	_ =	sdelay $0x1  }
0xb7: {  	s29 =	srdreg.scid  }
0xb8: {  	s30 =	sshll.u32 s29, $0xD;
	s31 =	sshrl.u32 s29, $0x2  }
0xb9: {  	s1 =	sand.u32 $0x1, s29;
	s2 =	sand.u32 $0x4000, s30;
	s0 =	sadd.s32 s31, s28  }
0xba: {  	s1 =	sor.u32 s2, s1;
	s0 =	sshll.u32 s0, $0x11  }
0xbb: {  	s0 =	sor.u32 s0, s1  }
0xbc: {  	s0 =	sadd.s32 $0x8F2B, s0  }
0xbd: {  	[sflag:s0] =	ssyncadd.remote.s32 $0x1  }
0xbe: {  	_ =	sfence.sel $0xFFFF  }
0xbf: {  	[dreg:$0x0] =	wrdreg $0xFFFFFFFF;
	(pc) =	sbr.abs _section_cstart, $3  }
0xc0: {  	[dreg:$0x1] =	wrdreg $0xFFFFFFFF  }
0xc1: {  	_ =	task.clear_ibuf [dreg:s6], $0x2FFFF;
	_ =	strace $0x9FFFFFFF  }
0xc2: {  	(tm) =	ssettm $0x7FFFFFFF  }
0xc3: {  	_ =	shalt  }
tec
execute0_lowered:
.L_overlay_start_1:
0x0: {  	(tag) =	ssettag $0x1  }
0x1: {  	s4 =	rddreg [dreg:$0x0]  }
0x2: {  	s6 =	rddreg [dreg:$0x1]  }
0x3: {  	s3 =	rddreg [dreg:$0x2];
	s2 =	simm.s32 $0x0;
	s1 =	stileid.u32  }
0x4: {  	[smem:$0x7FF] =	sst s2;
	s5 =	sshll.u32 s1, $0x6  }
0x5: {  	s0 =	rddreg [dreg:$0x3];
	_ =	strace $0x80000047;
	s4 =	sadd.s32 s4, s5  }
0x6: {  	[tilespmem:s2], [sflag:$0x2] =	stream.linear.gather [hbm4b:s4+s2], $0x200, $0x38;
	[tilespmem:$0x600] =	vst v63  }
0x7: {  	s4 =	simm.s32 $0x2  }
0x8: {  	_ =	swait.ge [sflag:s4], $0x200  }
0x9: {  	s5 =	sshll.u32 s1, $0x4;
	[sflag:s4] =	ssyncset.done $0x0  }
0xa: {  	s7 =	simm.s32 $0x200;
	s6 =	sadd.s32 s6, s5;
	[sflag:s4] =	ssyncadd.s32 $0xFFFFFE00  }
0xb: {  	[tilespmem:s7], [sflag:$0x2] =	stream.linear.gather [hbm4b:s6+s2], $0x80, $0x38;
	[tilespmem:$0x600] =	vst v63  }
0xc: {  	_ =	swait.ge [sflag:s4], $0x80  }
0xd: {  	[sflag:s4] =	ssyncset.done $0x0  }
0xe: {  	[sflag:s4] =	ssyncadd.s32 $0xFFFFFF80  }
0xf: {  	v0 =	vld [tilespmem:$0x0]  }
0x10: {  	v1 =	vld [tilespmem:$0x80]  }
0x11: {  	v2 =	vld [tilespmem:$0x100]  }
0x12: {  	v3 =	vld [tilespmem:$0x180]  }
0x13: {  	v19 =	vld [tilespmem:$0x10]  }
0x14: {  	v20 =	vld [tilespmem:$0x90]  }
0x15: {  	v4 =	vld [tilespmem:$0x110]  }
0x16: {  	v5 =	vld [tilespmem:$0x190];
	_ =	sdelay $0x2  }
0x17: {  	v0 =	vadd.f32 v2, v0  }
0x18: {  	v1 =	vadd.f32 v3, v1;
	v2 =	vadd.f32 v4, v19  }
0x19: {  	v3 =	vadd.f32 v5, v20;
	v0 =	vmul.f32 $1.600000000e+01, v0  }
0x1a: {  	v1 =	vmul.f32 $1.600000000e+01, v1;
	v2 =	vmul.f32 $1.600000000e+01, v2  }
0x1b: {  	v21 =	vlaneseq.u32;
	v3 =	vmul.f32 $1.600000000e+01, v3;
	v0 =	vtrunc.f32 v0  }
0x1c: {  	v9 =	vmul.u32 $0xFFFFFFFF, v21;
	v1 =	vtrunc.f32 v1;
	v2 =	vtrunc.f32 v2  }
0x1d: {  	v0 =	vcvt.f32.s32 v0;
	v6 =	vcvt.f32.s32 v1  }
0x1e: {  	v26 =	vadd.s32 $0xFFFFFFFF, v9;
	v7 =	vld [tilespmem:$0x200];
	v3 =	vtrunc.f32 v3;
	v2 =	vcvt.f32.s32 v2  }
0x1f: {  	v3 =	vcvt.f32.s32 v3;
	v8 =	vor.u32 v0, v6;
	v6 =	vshll.u32 v6, $0x5  }
0x20: {  	v36 =	vadd.s32 $0xFFFFFFEF, v9;
	vm0 =	vlt.u32 v8, $0x20;
	v0 =	vadd.s32 v0, v6  }
0x21: {  	v35 =	vor.u32 v2, v3;
	v3 =	vshll.u32 v3, $0x5;
	v27 =	vsel vm0, v0, v26  }
0x22: {  	s28 =	smul.u32 $0x14400, s1;
	vm14 =	vlt.u32 v35, $0x20;
	v2 =	vadd.s32 v2, v3;
	v0 =	vnsel vm0, $0x0, v0;
	[tilespmem:$0x280] =	vst v27  }
0x23: {  	v28 =	vshll.u32 v7, $0xA;
	v37 =	vsel vm14, v2, v36;
	[tilespmem:$0x300] =	vst v0  }
0x24: {  	v31 =	vld [tilespmem:$0x210];
	v29 =	vadd.s32 s28, v28;
	v39 =	vnsel vm14, $0x0, v2;
	[tilespmem:$0x290] =	vst v37  }
0x25: {  	s29 =	sadd.s32 $0x14000, s28;
	v4 =	vadd.s32 v0, v29;
	[tilespmem:$0x310] =	vst v39  }
0x26: {  	s8 =	sshll.u32 s1, $0xC;
	v30 =	vadd.s32 s29, v0;
	[tilespmem:$0x380] =	vst v4  }
0x27: {  	s9 =	sor.u32 $0x400, s8;
	v32 =	vadd.s32 s8, v0;
	[tilespmem:$0x3A0] =	vst v30  }
0x28: {  	s10 =	sor.u32 $0x800, s8;
	v33 =	vadd.s32 s9, v0;
	[tilespmem:$0x400] =	vst v32  }
0x29: {  	s11 =	sor.u32 $0xC00, s8;
	v38 =	vshll.u32 v31, $0xA;
	v34 =	vadd.s32 s10, v0;
	[tilespmem:$0x420] =	vst v33  }
0x2a: {  	v40 =	vadd.s32 s28, v38;
	v0 =	vadd.s32 s11, v0;
	[tilespmem:$0x440] =	vst v34  }
0x2b: {  	v2 =	vadd.s32 v39, v40;
	[tilespmem:$0x460] =	vst v0  }
0x2c: {  	v41 =	vadd.s32 s29, v39;
	[tilespmem:$0x390] =	vst v2  }
0x2d: {  	v42 =	vadd.s32 s8, v39;
	[tilespmem:$0x3B0] =	vst v41  }
0x2e: {  	v43 =	vadd.s32 s9, v39;
	[tilespmem:$0x410] =	vst v42  }
0x2f: {  	v44 =	vadd.s32 s10, v39;
	[tilespmem:$0x430] =	vst v43  }
0x30: {  	s12 =	simm.s32 $0x480;
	s13 =	simm.s32 $0x80;
	s14 =	simm.s32 $0x400;
	[tilespmem:$0x450] =	vst v44;
	v0 =	vadd.s32 s11, v39  }
0x31: {  	s30 =	sadd.s32 $0x200, s3;
	s10 =	simm.s32 $0x40;
	s11 =	simm.s32 $0x380;
	[tilespmem:$0x470] =	vst v0  }
0x32: {  	[tilespmem:s12], [sflag:$0x1] =	stream.indirect.gather [hbm4b:s30+s10], $0x1, s11, s10, $0xb8;
	[tilespmem:$0x600] =	vst v63  }
0x33: {  	s15 =	simm.s32 $0x500;
	s16 =	simm.s32 $0x1;
	s31 =	sadd.s32 $0x28A00, s3  }
0x34: {  	[tilespmem:s15], [sflag:$0x1] =	stream.indirect.gather [hbm4b:s31+s13], $0x1, s14, s13, $0xb8;
	[tilespmem:$0x600] =	vst v63  }
0x35: {  	_ =	swait.ge [sflag:s16], $0x40  }
0x36: {  	v59 =	vimm.s32 $0x14131211;
	[sflag:s16] =	ssyncset.done $0x0  }
0x37: {  	v62 =	vimm.s32 $0x18171615;
	v22 =	vimm.s32 $0x1C1B1A19;
	v45 =	vadd.s32 $0x1, v21;
	[sflag:s16] =	ssyncadd.s32 $0xFFFFFFC0  }
0x38: {  	v23 =	vimm.s32 $0x1F1E1D;
	v14 =	vimm.s32 $0x16151413;
	v46 =	vadd.s32 $0x2, v21;
	_ =	swait.ge [sflag:s16], $0x80  }
0x39: {  	v16 =	vimm.s32 $0x1E1D1C1B;
	v17 =	vimm.s32 $0x201001F;
	v47 =	vadd.s32 $0x3, v21;
	[sflag:s16] =	ssyncset.done $0x0  }
0x3a: {  	v48 =	vadd.s32 $0x4, v21;
	v49 =	vadd.s32 $0x5, v21;
	v50 =	vadd.s32 $0x6, v21;
	[sflag:s16] =	ssyncadd.s32 $0xFFFFFF80  }
0x3b: {  	s17 =	simm.s32 $0x280;
	v51 =	vadd.s32 $0x7, v21;
	v52 =	vadd.s32 $0x8, v21;
	v10 =	vadd.s32 $0x9, v21;
	v0 =	vld [tilespmem:$0x280]  }
0x3c: {  	v11 =	vadd.s32 $0xA, v21;
	v12 =	vadd.s32 $0xB, v21;
	v13 =	vadd.s32 $0xC, v21;
	v2 =	vld.idx.msk [tilespmem:v45+s17+$0x0], $0xffff  }
0x3d: {  	v58 =	vadd.s32 $0xD, v21;
	v60 =	vadd.s32 $0xE, v21;
	v61 =	vunpack.c.0.s8.s32 v59;
	v3 =	vld.idx.msk [tilespmem:v46+s17+$0x0], $0xffff  }
0x3e: {  	v63 =	vunpack.c.0.s8.s32 v62;
	v24 =	vunpack.c.0.s8.s32 v22;
	v25 =	vadd.s32 $0xF, v21;
	v4 =	vld.idx.msk [tilespmem:v47+s17+$0x0], $0xffff  }
0x3f: {  	v14 =	vunpack.c.0.s8.s32 v14;
	v16 =	vunpack.c.0.s8.s32 v16;
	v22 =	vimm.s32 $0x17161514;
	v5 =	vld.idx.msk [tilespmem:v48+s17+$0x0], $0xffff  }
0x40: {  	v59 =	vimm.s32 $0x87654321;
	v22 =	vunpack.c.0.s8.s32 v22;
	v31 =	vimm.s32 $0x1D1C1B1A;
	v6 =	vld.idx.msk [tilespmem:v49+s17+$0x0], $0xffff  }
0x41: {  	v19 =	vimm.s32 $0x3020100;
	v28 =	vimm.s32 $0x19181716;
	v15 =	vunpack.c.0.s8.s32 v31;
	v7 =	vld.idx.msk [tilespmem:v50+s17+$0x0], $0xffff  }
0x42: {  	v19 =	vunpack.c.0.s8.s32 v19;
	v1 =	vor.u32 $0x10, v21;
	v21 =	vimm.s32 $0x1F1E1D1C;
	v8 =	vld.idx.msk [tilespmem:v51+s17+$0x0], $0xffff  }
0x43: {  	v31 =	vimm.s32 $0xD0C0B0A;
	v21 =	vunpack.c.0.s8.s32 v21;
	v27 =	vimm.s32 $0x15141312;
	v53 =	vld.idx.msk [tilespmem:v52+s17+$0x0], $0xffff  }
0x44: {  	v40 =	vimm.s32 $0x4030201;
	v30 =	vunpack.c.0.s8.s32 v27;
	v32 =	vimm.s32 $0x1001F1E;
	v55 =	vld.idx.msk [tilespmem:v11+s17+$0x0], $0xffff  }
0x45: {  	v33 =	vimm.s32 $0x1A191817;
	v41 =	vunpack.c.0.s8.s32 v40;
	v43 =	vimm.s32 $0x5040302;
	v56 =	vld.idx.msk [tilespmem:v12+s17+$0x0], $0xffff  }
0x46: {  	v27 =	vimm.s32 $0x54329876;
	v18 =	vunpack.c.0.s8.s32 v33;
	v33 =	vimm.s32 $0xE0D0C0B;
	v57 =	vld.idx.msk [tilespmem:v13+s17+$0x0], $0xffff  }
0x47: {  	v11 =	vunpack.c.0.s8.s32 v28;
	v35 =	vld.idx.msk [tilespmem:v60+s17+$0x0], $0xffff;
	v48 =	vimm.s32 $0x0;
	v50 =	vimm.s32 $0x6050403  }
0x48: {  	v9 =	vld.idx.msk [tilespmem:v25+s17+$0x0], $0xffff;
	v51 =	vimm.s32 $0x0;
	v60 =	vimm.s32 $0x98765432;
	v25 =	vimm.s32 $0x43218765  }
0x49: {  	v28 =	vimm.s32 $0xC0B0A09;
	v12 =	vunpack.c.0.s8.s32 v50;
	vm15 =	veq.s32 v0, v2  }
0x4a: {  	v42 =	vld.idx.msk [tilespmem:v1+s17+$0x0], $0xffff;
	vm1 =	veq.s32 v0, v3;
	vm4 =	veq.s32 v0, v4;
	vm5 =	veq.s32 v0, v5  }
0x4b: {  	vm6 =	veq.s32 v0, v6;
	vm7 =	veq.s32 v0, v7;
	vm8 =	veq.s32 v0, v8  }
0x4c: {  	vm9 =	veq.s32 v0, v53;
	vm2 =	veq.s32 v0, v55;
	vm10 =	veq.s32 v0, v56  }
0x4d: {  	vm11 =	veq.s32 v0, v57;
	v2 =	vunpack.c.0.s8.s32 v23;
	v6 =	vunpack.c.0.s8.s32 v17  }
0x4e: {  	v54 =	vld.idx.msk [tilespmem:v10+s17+$0x0], $0xffff;
	v23 =	vimm.s32 $0x1B1A1918;
	v8 =	vunpack.c.0.s8.s32 v43;
	vm12 =	veq.s32 v0, v35  }
0x4f: {  	vm13 =	veq.s32 v0, v9;
	vm14 =	veq.s32 v0, v42;
	vm0 =	vmor vm15, vm1  }
0x50: {  	v3 =	vld.idx.msk [tilespmem:v58+s17+$0x0], $0xffff;
	v53 =	vimm.s32 $0x0;
	v57 =	vimm.s32 $0x76543210;
	vm0 =	vmor vm0, vm4  }
0x51: {  	v17 =	vunpack.c.l.s4.s8 v25;
	v35 =	vunpack.c.0.s8.s32 v33;
	vm0 =	vmor vm0, vm5  }
0x52: {  	v23 =	vunpack.c.0.s8.s32 v23;
	vm0 =	vmor vm0, vm6;
	vm6 =	vcmask $0x1F10  }
0x53: {  	vm4 =	veq.s32 v0, v54;
	vm0 =	vmor vm0, vm7;
	v5 =	vsel vm6, v63, v61  }
0x54: {  	v26 =	vsel vm6, v2, v24;
	v13 =	vsel vm6, v11, v30;
	v14 =	vsel vm6, v18, v14  }
0x55: {  	v20 =	vsel vm6, v6, v16;
	vm5 =	veq.s32 v0, v3;
	v38 =	vsel vm6, v19, v21  }
0x56: {  	v39 =	vsel vm6, v23, v22;
	v7 =	vsel vm6, v24, v63;
	v45 =	vsel vm6, v41, v2  }
0x57: {  	v11 =	vsel vm6, v15, v11;
	vm7 =	vmmov $0x7fff;
	v55 =	vsel vm6, v12, v6  }
0x58: {  	v56 =	vsel vm6, v16, v18;
	v12 =	vunpack.c.l.s4.s8 v57;
	v58 =	vsel vm6, v21, v23  }
0x59: {  	v61 =	vimm.s32 $0xA9876543;
	v63 =	vimm.s32 $0x32107654;
	v24 =	vimm.s32 $0xB0A0908  }
0x5a: {  	v18 =	vunpack.c.0.s8.s32 v28;
	vm0 =	vmor vm0, vm8;
	v29 =	vcombine.low v5, v26  }
0x5b: {  	v5 =	vunpack.c.0.s8.s32 v32;
	v37 =	vcombine.low v14, v20;
	v14 =	vcombine.low v39, v38  }
0x5c: {  	v7 =	vcombine.low v7, v45;
	v62 =	vunpack.c.l.s4.s8 v61;
	v16 =	vunpack.c.l.s4.s8 v63  }
0x5d: {  	vm3 =	vmor vm0, vm9;
	vm9 =	vmmov $0x3fff;
	v12 =	vunpack.c.0.s8.s32 v12  }
0x5e: {  	v34 =	vsel vm6, v5, v15;
	vm3 =	vmor vm3, vm4;
	v8 =	vsel vm6, v8, v5  }
0x5f: {  	v9 =	vsel vm9, $0xFFFFFFFF, v51;
	v15 =	vunpack.c.l.s4.s8 v60;
	vm6 =	vmmov $0x1ff  }
0x60: {  	v16 =	vunpack.c.0.s8.s32 v16;
	v36 =	vcombine.low v13, v34;
	vm2 =	vmor vm3, vm2  }
0x61: {  	v11 =	vcombine.low v11, v8;
	v8 =	vsel vm7, $0xFFFFFFFF, v48;
	v12 =	vcombine.low v58, v12  }
0x62: {  	v13 =	vunpack.c.0.s8.s32 v62;
	vm1 =	vmor vm2, vm10;
	v15 =	vunpack.c.0.s8.s32 v15  }
0x63: {  	v23 =	vand.u32 $0xF, v16;
	v16 =	vunpack.c.0.s8.s32 v24;
	vm0 =	vmor vm1, vm11;
	v44 =	vld.idx.msk [tilespmem:v29+s17+$0x0], $0xffff  }
0x64: {  	vm11 =	vmmov $0x1fff;
	v13 =	vand.u32 $0xF, v13;
	vm0 =	vmor vm0, vm5;
	v49 =	vld.idx.msk [tilespmem:v14+s17+$0x0], $0xffff  }
0x65: {  	v52 =	vld.idx.msk [tilespmem:v7+s17+$0x0], $0xffff;
	v7 =	vsel vm11, $0xFFFFFFFF, v53;
	vm5 =	vmmov $0x7ff;
	v14 =	vunpack.c.l.s4.s8 v59  }
0x66: {  	v47 =	vld.idx.msk [tilespmem:v37+s17+$0x0], $0xffff;
	v15 =	vand.u32 $0xF, v15;
	v13 =	vcombine.low v20, v13;
	v29 =	vimm.s32 $0x6543A987  }
0x67: {  	v40 =	vld [tilespmem:$0x0];
	vm0 =	vmor vm0, vm12;
	v22 =	vcombine.low v34, v15;
	v19 =	vunpack.c.l.s4.s8 v29  }
0x68: {  	v37 =	vld [tilespmem:$0x500];
	vm1 =	vmor vm0, vm13;
	v14 =	vunpack.c.0.s8.s32 v14;
	vm0 =	vcmask $0x2F10  }
0x69: {  	vm2 =	vmor vm1, vm14;
	v54 =	vld.idx.msk [tilespmem:v11+s17+$0x0], $0xffff;
	v11 =	vcombine.low v56, v55;
	v15 =	vsel vm0, v23, v21  }
0x6a: {  	v32 =	vunpack.c.0.s8.s32 v19;
	v14 =	vand.u32 $0xF, v14;
	vm15 =	veq.s32 v0, v44  }
0x6b: {  	vm10 =	veq.s32 v0, v47;
	vm13 =	veq.s32 v0, v49;
	v10 =	vcombine.low v26, v14  }
0x6c: {  	v46 =	vld.idx.msk [tilespmem:v36+s17+$0x0], $0xffff;
	v26 =	vunpack.c.0.s8.s32 v17;
	v17 =	vunpack.c.l.s4.s8 v27;
	v34 =	vand.u32 $0xF, v32  }
0x6d: {  	v12 =	vld.idx.msk [tilespmem:v12+s17+$0x0], $0xffff;
	v1 =	vsub.f32 v37, v40;
	vm3 =	vmand vm15, vm7;
	vm12 =	vmand vm10, vm11  }
0x6e: {  	vm10 =	vcmask $0x3F30;
	v6 =	vsel vm0, v34, v6;
	vm11 =	vmmov $0xf  }
0x6f: {  	vm3 =	vmor vm2, vm3;
	v15 =	vsel vm10, v16, v15;
	v16 =	vand.u32 $0xF, v26  }
0x70: {  	v30 =	vunpack.c.0.s8.s32 v17;
	v17 =	vunpack.c.0.s8.s32 v31;
	v6 =	vsel vm10, v35, v6  }
0x71: {  	v48 =	vand.u32 $0x7FFFFFFF, v1;
	vm8 =	veq.s32 v0, v46;
	v2 =	vsel vm0, v16, v2  }
0x72: {  	v57 =	vld [tilespmem:$0x480];
	vm1 =	veq.s32 v0, v12;
	vm4 =	vmand vm8, vm9;
	vm8 =	veq.s32 v0, v52  }
0x73: {  	vm9 =	veq.s32 v0, v54;
	v11 =	vld.idx.msk [tilespmem:v11+s17+$0x0], $0xffff;
	v2 =	vsel vm10, v18, v2;
	v16 =	vand.u32 $0xF, v30  }
0x74: {  	v28 =	vld [tilespmem:$0x570];
	vm3 =	vmor vm3, vm4;
	vm4 =	vmmov $0xfff;
	vm8 =	vmand vm8, vm5  }
0x75: {  	v5 =	vsel vm0, v16, v5;
	vm3 =	vmor vm3, vm12;
	vm7 =	vmand vm13, vm4;
	v10 =	vld.idx.msk [tilespmem:v10+s17+$0x0], $0xffff  }
0x76: {  	v14 =	vld.idx.msk [tilespmem:v22+s17+$0x0], $0xffff;
	v5 =	vsel vm10, v17, v5;
	vm12 =	vmmov $0x7f;
	vm13 =	vmmov $0x3f  }
0x77: {  	v13 =	vld.idx.msk [tilespmem:v13+s17+$0x0], $0xffff;
	vm10 =	vmmov $0x1f;
	vm7 =	vmor vm3, vm7;
	vm3 =	vmmov $0x3ff  }
0x78: {  	[tilespmem:$0x1FFE0] =	vst v9;
	v15 =	vld.idx.msk [tilespmem:v15+s17+$0x0], $0xffff;
	vm7 =	vmor vm7, vm8;
	vm14 =	vmand vm9, vm3;
	vm15 =	veq.s32 v0, v11  }
0x79: {  	v39 =	vld [tilespmem:$0x1FFE0];
	vm7 =	vmor vm7, vm14;
	vm14 =	vmmov $0xff;
	vm9 =	vmand vm15, vm6  }
0x7a: {  	v2 =	vld.idx.msk [tilespmem:v2+s17+$0x0], $0xffff;
	vm8 =	vmand vm1, vm14;
	vm7 =	vmor vm7, vm9;
	vm2 =	veq.s32 v0, v10  }
0x7b: {  	vm1 =	veq.s32 v0, v14;
	v5 =	vld.idx.msk [tilespmem:v5+s17+$0x0], $0xffff;
	vm7 =	vmor vm7, vm8;
	vm0 =	vmand vm2, vm12  }
0x7c: {  	v59 =	vld [tilespmem:$0x4A0];
	vm8 =	vmand vm1, vm13;
	vm2 =	veq.s32 v0, v13;
	vm7 =	vmor vm7, vm0  }
0x7d: {  	v6 =	vld.idx.msk [tilespmem:v6+s17+$0x0], $0xffff;
	vm15 =	vmand vm2, vm10;
	vm0 =	veq.s32 v0, v15;
	vm7 =	vmor vm7, vm8  }
0x7e: {  	[tilespmem:$0x1FFD0] =	vst v8;
	v36 =	vld [tilespmem:$0x290];
	v50 =	vadd.f32 $-5.000000000e-01, v48;
	vm8 =	vmand vm0, vm11;
	vm7 =	vmor vm7, vm15  }
0x7f: {  	v38 =	vld [tilespmem:$0x1FFD0];
	vm9 =	vmmov $0x7;
	vm15 =	veq.s32 v0, v2;
	vm7 =	vmor vm7, vm8  }
0x80: {  	v31 =	vld [tilespmem:$0x190];
	vm1 =	vmand vm15, vm9;
	vm2 =	veq.s32 v0, v5;
	vm8 =	vmmov $0x3  }
0x81: {  	[tilespmem:$0x1FFF0] =	vst v7;
	v18 =	vsub.f32 v57, v59;
	vm15 =	vmor vm7, vm1;
	vm0 =	vmand vm2, vm8  }
0x82: {  	v41 =	vld [tilespmem:$0x1FFF0];
	vm1 =	veq.s32 v0, v6;
	vm7 =	vmmov $0x1;
	vm0 =	vmor vm15, vm0  }
0x83: {  	vm1 =	vmand vm1, vm7;
	vm15 =	veq.s32 v36, v46;
	v46 =	vmul.f32 $5.000000000e-01, v1  }
0x84: {  	vm2 =	vmor vm0, vm1;
	vm1 =	veq.s32 v36, v44;
	vm0 =	vnez.u8 v38  }
0x85: {  	v42 =	vld [tilespmem:$0x520];
	v40 =	vsub.f32 v28, v31;
	vm1 =	vmand vm1, vm0;
	vm0 =	vnez.u8 v39  }
0x86: {  	v43 =	vld [tilespmem:$0x80];
	v44 =	vimm.f32 $1.000000000e+00;
	v1 =	vmul.f32 v46, v1;
	vm15 =	vmand vm15, vm0  }
0x87: {  	vm0 =	veq.s32 v36, v47;
	vm1 =	vmor vm1, vm15;
	vm15 =	vnez.u8 v41  }
0x88: {  	v27 =	vld [tilespmem:$0x110];
	v46 =	vand.u32 $0x7FFFFFFF, v40;
	vm0 =	vmand vm0, vm15;
	vm15 =	veq.s32 v36, v49  }
0x89: {  	v26 =	vld [tilespmem:$0x550];
	vm0 =	vmor vm0, vm1;
	vm1 =	vmand vm15, vm4;
	vm15 =	veq.s32 v36, v52  }
0x8a: {  	vm4 =	veq.s32 v36, v12;
	vm0 =	vmor vm1, vm0;
	vm1 =	vmand vm15, vm5  }
0x8b: {  	vm15 =	vlt.s32 v0, $0x0;
	vm5 =	veq.s32 v36, v54;
	v0 =	vsub.f32 v42, v43  }
0x8c: {  	v47 =	vld [tilespmem:$0x540];
	vm2 =	vmor vm15, vm2;
	vm0 =	vmor vm1, vm0;
	vm1 =	vmand vm5, vm3  }
0x8d: {  	v49 =	vld [tilespmem:$0x100];
	vm15 =	veq.s32 v36, v11;
	vm5 =	vmand vm4, vm14;
	vm14 =	veq.s32 v36, v10  }
0x8e: {  	v63 =	vld [tilespmem:$0x4B0];
	v10 =	vsub.f32 v26, v27;
	v45 =	vsel vm2, $0x0, v44;
	vm0 =	vmor vm1, vm0  }
0x8f: {  	v62 =	vld [tilespmem:$0x490];
	vm1 =	vmand vm15, vm6;
	vm6 =	vlt.f32 v48, $1.000000000e+00;
	v51 =	vmul.f32 $5.000000000e-01, v0  }
0x90: {  	v20 =	vld [tilespmem:$0x10];
	vm15 =	veq.s32 v36, v14;
	v52 =	vand.u32 $0x7FFFFFFF, v0;
	vm0 =	vmor vm1, vm0  }
0x91: {  	v17 =	vld [tilespmem:$0x510];
	vm1 =	vmand vm14, vm12;
	v1 =	vsel vm6, v1, v50;
	vm6 =	vmand vm15, vm13  }
0x92: {  	v56 =	vld [tilespmem:$0x180];
	v53 =	vsub.f32 v47, v49;
	v55 =	vadd.f32 $-5.000000000e-01, v52;
	vm12 =	veq.s32 v36, v13  }
0x93: {  	v54 =	vld [tilespmem:$0x560];
	vm13 =	vlt.f32 v52, $1.000000000e+00;
	vm14 =	veq.s32 v36, v15;
	vm15 =	veq.s32 v36, v2  }
0x94: {  	v24 =	vld [tilespmem:$0x90];
	v8 =	vmul.f32 v45, v18;
	v2 =	vsub.f32 v62, v63;
	v39 =	vmul.f32 $5.000000000e-01, v10  }
0x95: {  	v22 =	vld [tilespmem:$0x530];
	(xrf2) =	vadd.scan.msk.f32 $0xffff, v45;
	v41 =	vand.u32 $0x7FFFFFFF, v10;
	vm0 =	vmor vm5, vm0;
	v0 =	vmul.f32 v51, v0  }
0x96: {  	vm5 =	veq.s32 v36, v5;
	v1 =	vmul.f32 v1, v45;
	v5 =	vsub.f32 v17, v20  }
0x97: {  	vm0 =	vmor vm1, vm0;
	vm1 =	vmand vm12, vm10;
	v58 =	vmul.f32 $5.000000000e-01, v53  }
0x98: {  	v60 =	vand.u32 $0x7FFFFFFF, v53;
	v9 =	vsub.f32 v54, v56;
	vm0 =	vmor vm6, vm0  }
0x99: {  	v0 =	vsel vm13, v0, v55;
	v61 =	vadd.f32 $-5.000000000e-01, v60;
	vm4 =	vlt.f32 v60, $1.000000000e+00  }
0x9a: {  	vm6 =	veq.s32 v36, v6;
	v30 =	vmul.f32 $5.000000000e-01, v5;
	v6 =	vsub.f32 v22, v24  }
0x9b: {  	v32 =	vand.u32 $0x7FFFFFFF, v5;
	vm0 =	vmor vm1, vm0;
	vm1 =	vmand vm14, vm11  }
0x9c: {  	v3 =	vmul.f32 v58, v53;
	v19 =	vmul.f32 $5.000000000e-01, v9;
	v21 =	vand.u32 $0x7FFFFFFF, v9  }
0x9d: {  	v0 =	vmul.f32 v0, v45;
	v34 =	vadd.f32 $-5.000000000e-01, v32;
	vm0 =	vmor vm1, vm0  }
0x9e: {  	vm1 =	vmand vm15, vm9;
	v23 =	vadd.f32 $-5.000000000e-01, v21;
	v33 =	vmul.f32 v30, v5  }
0x9f: {  	v35 =	vmul.f32 $5.000000000e-01, v6;
	v3 =	vsel vm4, v3, v61;
	vm0 =	vmor vm1, vm0;
	v25, _, _ =	vpop (xrf2);
	(xrf2) =	vadd.scan.msk.f32 $0xffff, v8  }
0xa0: {  	vm1 =	vmand vm5, vm8;
	v9 =	vmul.f32 v19, v9;
	vm8 =	vlt.s32 v36, $0x0;
	(xrf2) =	vadd.scan.msk.f32 $0xffff, v1  }
0xa1: {  	vm0 =	vmor vm1, vm0;
	vm1 =	vmand vm6, vm7;
	vm7 =	vlt.f32 v21, $1.000000000e+00  }
0xa2: {  	v3 =	vmul.f32 v3, v45;
	vm0 =	vmor vm1, vm0;
	v9 =	vsel vm7, v9, v23;
	(xrf2) =	vadd.scan.msk.f32 $0xffff, v0  }
0xa3: {  	vm9 =	vlt.f32 v32, $1.000000000e+00;
	vm0 =	vmor vm8, vm0;
	v7 =	vmul.f32 v9, v45  }
0xa4: {  	v36 =	vand.u32 $0x7FFFFFFF, v6;
	v37 =	vmul.f32 v35, v6;
	v29 =	vsel vm0, $0x0, v44;
	(xrf2) =	vadd.scan.msk.f32 $0xffff, v3  }
0xa5: {  	v38 =	vadd.f32 $-5.000000000e-01, v36;
	v2 =	vmul.f32 v29, v2;
	v0 =	vsel vm9, v33, v34;
	(xrf2) =	vadd.scan.msk.f32 $0xffff, v7  }
0xa6: {  	v43 =	vadd.f32 $-5.000000000e-01, v41;
	vm10 =	vlt.f32 v36, $1.000000000e+00;
	v0 =	vmul.f32 v29, v0;
	(xrf2) =	vadd.scan.msk.f32 $0xffff, v29  }
0xa7: {  	v42 =	vmul.f32 v39, v10;
	v44 =	vmul.f32 $5.000000000e-01, v40;
	v3 =	vsel vm10, v37, v38;
	(xrf2) =	vadd.scan.msk.f32 $0xffff, v2  }
0xa8: {  	v49 =	vadd.f32 $-5.000000000e-01, v46;
	vm11 =	vlt.f32 v41, $1.000000000e+00;
	v45 =	vmul.f32 v29, v3;
	(xrf2) =	vadd.scan.msk.f32 $0xffff, v0  }
0xa9: {  	(v2sf) =	vpush v25, $0xF;
	v48 =	vmul.f32 v44, v40;
	v2 =	vsel vm11, v42, v43;
	v47, _, _ =	vpop (xrf2)  }
0xaa: {  	vm12 =	vlt.f32 v46, $1.000000000e+00;
	v51 =	vmul.f32 v29, v2;
	(xrf2) =	vadd.scan.msk.f32 $0xffff, v45;
	(v2sf) =	vpush v47, $0xF;
	v50, _, _ =	vpop (xrf2)  }
0xab: {  	v52 =	vsel vm12, v48, v49;
	(v2sf) =	vpush v50, $0xF  }
0xac: {  	v54 =	vmul.f32 v29, v52;
	(xrf2) =	vadd.scan.msk.f32 $0xffff, v51;
	v53, _, _ =	vpop (xrf2)  }
0xad: {  	(v2sf) =	vpush v53, $0xF  }
0xae: {  	(xrf2) =	vadd.scan.msk.f32 $0xffff, v54;
	v55, _, _ =	vpop (xrf2)  }
0xaf: {  	v56, _, _ =	vpop (xrf2);
	(v2sf) =	vpush v55, $0xF  }
0xb0: {  	v57, _, _ =	vpop (xrf2);
	(v2sf) =	vpush v56, $0xF  }
0xb1: {  	v58, _, _ =	vpop (xrf2);
	(v2sf) =	vpush v57, $0xF  }
0xb2: {  	v59, _, _ =	vpop (xrf2);
	(v2sf) =	vpush v58, $0xF  }
0xb3: {  	(v2sf) =	vpush v59, $0xF  }
0xb4: {  	v60, _, _ =	vpop (xrf2)  }
0xb5: {  	(v2sf) =	vpush v60, $0xF  }
0xb6: {  	v61, _, _ =	vpop (xrf2)  }
0xb7: {  	(v2sf) =	vpush v61, $0xF  }
0xb8: {  	s18 =	spop (v2sf);
	v62, _, _ =	vpop (xrf2)  }
0xb9: {  	(v2sf) =	vpush v62, $0xF;
	s19 =	spop (v2sf)  }
0xba: {  	s20 =	spop (v2sf)  }
0xbb: {  	s8 =	sadd.f32 $0.0e+00, s20  }
0xbc: {  	s21 =	spop (v2sf)  }
0xbd: {  	s8 =	sadd.f32 s21, s8  }
0xbe: {  	s22 =	spop (v2sf)  }
0xbf: {  	s23 =	spop (v2sf);
	s8 =	sadd.f32 s22, s8  }
0xc0: {  	s24 =	spop (v2sf)  }
0xc1: {  	s25 =	spop (v2sf);
	s8 =	sadd.f32 s23, s8  }
0xc2: {  	s26 =	spop (v2sf)  }
0xc3: {  	s8 =	sadd.f32 s26, s8  }
0xc4: {  	s7 =	sadd.f32 $0.0e+00, s19;
	s28 =	spop (v2sf)  }
0xc5: {  	s8 =	sadd.f32 s8, s28  }
0xc6: {  	s7 =	sadd.f32 s25, s7;
	s29 =	spop (v2sf)  }
0xc7: {  	s8 =	sadd.f32 s8, s29  }
0xc8: {  	s6 =	sadd.f32 $0.0e+00, s18;
	s30 =	spop (v2sf)  }
0xc9: {  	vm13 =	vcmask $0x300;
	v63 =	vmov s7;
	s8 =	sadd.f32 s8, s30  }
0xca: {  	vm14 =	vcmask $0x704;
	s6 =	sadd.f32 s24, s6;
	v0 =	vnsel vm13, $0x0, v63  }
0xcb: {  	vm15 =	vcmask $0xB08;
	v0 =	vsel vm14, s8, v0  }
0xcc: {  	s3 =	sadd.s32 s5, s3;
	v0 =	vsel vm15, s6, v0  }
0xcd: {  	s3 =	sadd.s32 $0x2AA00, s3;
	s31 =	simm.s32 $0x580;
	[tilespmem:$0x580] =	vst v0  }
0xce: {  	[hbm4b:s3+s2] =	stream.linear.scatter [tilespmem:s31], [sflag:$0x2], $0x80, $0x38;
	[tilespmem:$0x600] =	vst v63  }
0xcf: {  	_ =	swait.ge [sflag:s4], $0x80  }
0xd0: {  	[sflag:s4] =	ssyncset.done $0x0  }
0xd1: {  	[sflag:s4] =	ssyncadd.s32 $0xFFFFFF80  }
0xd2: {  	_ =	sfence.sel $0x180000  }
0xd3: {  	[bflag:$0x0] =	sbarrier.arrive $0xFFFF  }
0xd4: {  	p0 =	sne.s32 s1, $0x0;
	_ =	strace $0x90000047  }
0xd5: {  	s0 =	sadd.s32 @!p0 $0x100000, s0;
	[bflag:$0x2] =	sbarrier.arrive $0xFFFF  }
0xd6: {  	[sflag:s0] =	ssyncadd.tile.s32 @!p0 $0x1;
	_ =	shalt  }
.Lfunc_end2:
_tile_overlayer_lowered:
.L_overlay_start_2:
0xd7: {  	(tag) =	ssettag $0x2  }
0xd8: {  	s0 =	rddreg [dreg:$0x0];
	s2 =	stileid.u32  }
0xd9: {  	s1 =	rddreg [dreg:$0x1];
	p0 =	sne.s32 s2, $0x0  }
0xda: {  	s3 =	rddreg [dreg:$0x2];
	[bflag:$0x3] =	sbarrier.arrive $0xFFFF;
	s2 =	simm.s32 @!p0 $0x1C02  }
0xdb: {  	[timem:s3], [sflag:s2] =	dma.local @!p0 [hbm:s0], s1  }
0xdc: {  	s0 =	simm.s32 @!p0 $0x2  }
0xdd: {  	_ =	swait.ge @!p0 [sflag:s0], s1  }
0xde: {  	s1 =	ssub.s32 @!p0 $0x0, s1;
	[sflag:s0] =	ssyncset.done @!p0 $0x0  }
0xdf: {  	[sflag:s0] =	ssyncadd.s32 @!p0 s1  }
0xe0: {  	[bflag:$0x3] =	sbarrier.arrive $0xFFFF  }
0xe1: {  	_ =	shalt  }

</sc_bundles>
